<compile_context>
chip_gen: v7x
topology: tpu7x:2x2x1
jax: 0.10.2.dev20260603
libtpu: 0.0.44.dev20260713+nightly
codegen_flags: <defaults>
</compile_context>

<pallas_src>
import functools

import jax
import jax.numpy as jnp
from jax import lax
from jax.experimental import pallas as pl
from jax.experimental.pallas import tpu as pltpu
from jax.experimental.pallas import tpu_sc as plsc

EMBED_DIM = 32
HALF = 16
LANES = 16

_NC = 2
_NS = 16
_NW = _NC * _NS

_T = 200
_I = 16384
_JB = 8
_CI = 4096
_NCH = _I // _CI
_UNITS = _T * (EMBED_DIM // _JB)
_UPW = _UNITS // _NW
_STEPS = _UPW * _NCH
_GROUPS = _CI // LANES


def _vperm(src, idx):
    return lax.gather(
        src, idx[:, None],
        dimension_numbers=lax.GatherDimensionNumbers(
            offset_dims=(), collapsed_slice_dims=(0,), start_index_map=(0,)),
        slice_sizes=(1,),
        mode=lax.GatherScatterMode.PROMISE_IN_BOUNDS)


def _sc_lookup(daysT_flat, dtT_flat, w_vec, b_vec):
    mesh = plsc.VectorSubcoreMesh(
        core_axis_name="c", subcore_axis_name="s",
        num_cores=_NC, num_subcores=_NS)

    @functools.partial(
        pl.kernel,
        out_type=jax.ShapeDtypeStruct((_T, EMBED_DIM, _I), jnp.float32),
        mesh=mesh,
        scratch_types=[
            pltpu.VMEM((_CI,), jnp.int32),
            pltpu.VMEM((_CI,), jnp.int32),
            pltpu.VMEM((_JB, _CI), jnp.float32),
            pltpu.VMEM((_JB, _CI), jnp.float32),
            pltpu.VMEM((EMBED_DIM * LANES,), jnp.float32),
            pltpu.VMEM((LANES,), jnp.float32),
            pltpu.VMEM((LANES,), jnp.float32),
            pltpu.SemaphoreType.DMA,
            pltpu.SemaphoreType.DMA,
            pltpu.SemaphoreType.DMA,
            pltpu.SemaphoreType.DMA,
        ],
        compiler_params=pltpu.CompilerParams(needs_layout_passes=False),
    )
    def k(idx_hbm, tbl_hbm, w_hbm, b_hbm, out_hbm,
          idx_v0, idx_v1, out_v0, out_v1, fused_v, w_v, b_v,
          sem_in0, sem_in1, sem_out0, sem_out1):
        idx_v = (idx_v0, idx_v1)
        out_v = (out_v0, out_v1)
        sem_in = (sem_in0, sem_in1)
        sem_out = (sem_out0, sem_out1)
        wid = lax.axis_index("s") * _NC + lax.axis_index("c")
        u_base = wid * _UPW

        pltpu.sync_copy(tbl_hbm, fused_v.at[pl.ds(0, HALF * LANES)])
        pltpu.sync_copy(w_hbm, w_v)
        pltpu.sync_copy(b_hbm, b_v)
        w_all = w_v[...]
        b_all = b_v[...]
        wk = jnp.where(lax.iota(jnp.int32, LANES) >= 5, 1.0, 0.0)
        for j in range(HALF):
            sel = jnp.full((LANES,), j, jnp.int32)
            fused_v[pl.ds((HALF + j) * LANES, LANES)] = (
                wk * _vperm(w_all, sel) + _vperm(b_all, sel))

        def unit_of(s):
            u = u_base + (s >> 2)
            return u >> 2, u & 3, s & 3

        def in_cp(s, b):
            t, _, ch = unit_of(s)
            off = pl.multiple_of(t * _I + ch * _CI, _CI)
            return pltpu.make_async_copy(
                idx_hbm.at[pl.ds(off, _CI)], idx_v[b], sem_in[b])

        def out_cp(s, b):
            t, jb, ch = unit_of(s)
            return pltpu.make_async_copy(
                out_v[b],
                out_hbm.at[t, pl.ds(jb * _JB, _JB),
                           pl.ds(pl.multiple_of(ch * _CI, _CI), _CI)],
                sem_out[b])

        in_cp(0, 0).start()
        in_cp(1, 1).start()

        def step_pair(K, carry):
            for b in range(2):
                s = 2 * K + b
                in_cp(s, b).wait()

                @pl.when(K >= 1)
                def _():
                    out_cp(s - 2, b).wait()

                _, jb, _ = unit_of(s)
                cbase = pl.multiple_of(jb * (_JB * LANES), _JB * LANES)
                colv = [fused_v[pl.ds(cbase + jj * LANES, LANES)]
                        for jj in range(_JB)]
                idx_ref = idx_v[b]
                out_ref = out_v[b]

                def group(g, carry2):
                    span = pl.ds(pl.multiple_of(g * LANES, LANES), LANES)
                    dvec = idx_ref[span]
                    for jj in range(_JB):
                        out_ref[jj, span] = _vperm(colv[jj], dvec)
                    return carry2

                lax.fori_loop(0, _GROUPS, group, 0)
                out_cp(s, b).start()

                @pl.when(K < _STEPS // 2 - 1)
                def _():
                    in_cp(s + 2, b).start()
            return carry

        lax.fori_loop(0, _STEPS // 2, step_pair, 0)
        out_cp(_STEPS - 2, 0).wait()
        out_cp(_STEPS - 1, 1).wait()

    return k(daysT_flat, dtT_flat, w_vec, b_vec)


def kernel(days, day_table, W_weekend, b_weekend):
    daysT_flat = days.T.reshape(_T * _I)
    dtT_flat = jnp.zeros((LANES, LANES), jnp.float32).at[:, :7].set(
        day_table.T).reshape(HALF * LANES)
    a = _sc_lookup(daysT_flat, dtT_flat, W_weekend.reshape(HALF),
                   b_weekend.reshape(HALF))
    return a.transpose(2, 0, 1)

# --- scband reference (transcript-rebuilt; emitter-appended) ---
"""Pipeline reference for scband-day-of-week-encoder-42485816492108 (READ-ONLY COPY).

The authoritative reference and input builder live on the scoring server;
editing this copy changes nothing except your own understanding.
"""

import jax, jax.numpy as jnp
import numpy as np

EMBED_DIM = 32
HALF = EMBED_DIM // 2

def setup_inputs(seed: int = 0) -> dict:
    key = jax.random.key(seed)
    k1, k2, k3, k4 = jax.random.split(key, 4)
    days = jax.random.randint(k1, (16384, 200), 0, 7, dtype=jnp.int32)
    day_table = jax.random.normal(k2, (7, HALF), dtype=jnp.float32)
    # nn.Linear(1, HALF): weight (HALF, 1), bias (HALF,)
    W_weekend = jax.random.normal(k3, (HALF, 1), dtype=jnp.float32) * (1.0 / np.sqrt(1.0))
    b_weekend = jax.random.normal(k4, (HALF,), dtype=jnp.float32) * 0.01
    return {"days": days, "day_table": day_table, "W_weekend": W_weekend, "b_weekend": b_weekend}

def reference(days, day_table, W_weekend, b_weekend):
    original_shape = days.shape
    days_flat = days.reshape(-1)
    # embedding lookup (gather)
    day_emb = jnp.take(day_table, days_flat, axis=0)
    # continuous weekend encoding via linear layer on 1-d feature
    is_weekend = (days_flat >= 5).astype(jnp.float32)[:, None]
    weekend_emb = is_weekend @ W_weekend.T + b_weekend
    combined = jnp.concatenate([day_emb, weekend_emb], axis=-1)
    output = combined.reshape(*original_shape, -1)
    return output

if __name__ == "__main__":
    import jax
    _d = setup_inputs()
    print(jax.jit(kernel)(*tuple(_d.values())))

</pallas_src>

<mosaic_0001>
#map = affine_map<(d0, d1) -> (0)>
#map1 = affine_map<(d0, d1) -> (0, 0, 0)>
module attributes {stable_mosaic.version = 14 : i64} {
  func.func @k(%arg0: i32, %arg1: i32, %arg2: memref<3276800xi32, #tpu.memory_space<hbm>>, %arg3: memref<256xf32, #tpu.memory_space<hbm>>, %arg4: memref<16xf32, #tpu.memory_space<hbm>>, %arg5: memref<16xf32, #tpu.memory_space<hbm>>, %arg6: memref<200x32x16384xf32, #tpu.memory_space<hbm>>, %arg7: memref<4096xi32, #tpu.memory_space<vmem>>, %arg8: memref<4096xi32, #tpu.memory_space<vmem>>, %arg9: memref<8x4096xf32, #tpu.memory_space<vmem>>, %arg10: memref<8x4096xf32, #tpu.memory_space<vmem>>, %arg11: memref<512xf32, #tpu.memory_space<vmem>>, %arg12: memref<16xf32, #tpu.memory_space<vmem>>, %arg13: memref<16xf32, #tpu.memory_space<vmem>>, %arg14: memref<!tpu.dma_semaphore, #tpu.memory_space<semaphore_mem>>, %arg15: memref<!tpu.dma_semaphore, #tpu.memory_space<semaphore_mem>>, %arg16: memref<!tpu.dma_semaphore, #tpu.memory_space<semaphore_mem>>, %arg17: memref<!tpu.dma_semaphore, #tpu.memory_space<semaphore_mem>>) attributes {dimension_semantics = [#tpu.dimension_semantics<core_parallel>, #tpu.dimension_semantics<subcore_parallel>], iteration_bounds = array<i64: 2, 16>, scalar_prefetch = 0 : i64, scratch_operands = 11 : i64, tpu.core_type = #tpu.core_type<sc_vector_subcore>, window_params = [{transform_indices = #map}, {transform_indices = #map}, {transform_indices = #map}, {transform_indices = #map}, {transform_indices = #map1}]} {
    %mul3A = arith.constant 2 : i32
    %mul3A_0 = arith.muli %arg1, %mul3A : i32
    %add3A = arith.addi %mul3A_0, %arg0 : i32
    %mul3A_1 = arith.constant 25 : i32
    %mul3A_2 = arith.muli %add3A, %mul3A_1 : i32
    "tpu.region"() ({
      %run_scoped3A = tpu.sem_alloc : memref<!tpu.dma_semaphore, #tpu.memory_space<semaphore_mem>>
      %dma_start3A_254 = arith.constant 0 : i32
      %dma_start3A_255 = tpu.memref_slice %arg11[%dma_start3A_254] : memref<512xf32, #tpu.memory_space<vmem>> -> memref<256xf32, #tpu.memory_space<vmem>>
      %dma_start3A_256 = arith.constant 0 : i32
      %dma_start3A_257 = tpu.memref_slice %arg11[%dma_start3A_256] : memref<512xf32, #tpu.memory_space<vmem>> -> memref<256xf32, #tpu.memory_space<vmem>>
      tpu.enqueue_dma source(%arg3 : memref<256xf32, #tpu.memory_space<hbm>>) target(%dma_start3A_257 : memref<256xf32, #tpu.memory_space<vmem>>) target_semaphore(%run_scoped3A : memref<!tpu.dma_semaphore, #tpu.memory_space<semaphore_mem>>)
      %dma_wait3A_258 = arith.constant 0 : i32
      %dma_wait3A_259 = tpu.memref_slice %arg11[%dma_wait3A_258] : memref<512xf32, #tpu.memory_space<vmem>> -> memref<256xf32, #tpu.memory_space<vmem>>
      %dma_wait3A_260 = arith.constant 0 : i32
      %dma_wait3A_261 = tpu.memref_slice %arg11[%dma_wait3A_260] : memref<512xf32, #tpu.memory_space<vmem>> -> memref<256xf32, #tpu.memory_space<vmem>>
      tpu.wait_dma2 semaphore(%run_scoped3A : memref<!tpu.dma_semaphore, #tpu.memory_space<semaphore_mem>>) src(%arg3 : memref<256xf32, #tpu.memory_space<hbm>>) dst(%dma_wait3A_261 : memref<256xf32, #tpu.memory_space<vmem>>)
      tpu.yield
    }) : () -> ()
    "tpu.region"() ({
      %run_scoped3A = tpu.sem_alloc : memref<!tpu.dma_semaphore, #tpu.memory_space<semaphore_mem>>
      tpu.enqueue_dma source(%arg4 : memref<16xf32, #tpu.memory_space<hbm>>) target(%arg12 : memref<16xf32, #tpu.memory_space<vmem>>) target_semaphore(%run_scoped3A : memref<!tpu.dma_semaphore, #tpu.memory_space<semaphore_mem>>)
      tpu.wait_dma2 semaphore(%run_scoped3A : memref<!tpu.dma_semaphore, #tpu.memory_space<semaphore_mem>>) src(%arg4 : memref<16xf32, #tpu.memory_space<hbm>>) dst(%arg12 : memref<16xf32, #tpu.memory_space<vmem>>)
      tpu.yield
    }) : () -> ()
    "tpu.region"() ({
      %run_scoped3A = tpu.sem_alloc : memref<!tpu.dma_semaphore, #tpu.memory_space<semaphore_mem>>
      tpu.enqueue_dma source(%arg5 : memref<16xf32, #tpu.memory_space<hbm>>) target(%arg13 : memref<16xf32, #tpu.memory_space<vmem>>) target_semaphore(%run_scoped3A : memref<!tpu.dma_semaphore, #tpu.memory_space<semaphore_mem>>)
      tpu.wait_dma2 semaphore(%run_scoped3A : memref<!tpu.dma_semaphore, #tpu.memory_space<semaphore_mem>>) src(%arg5 : memref<16xf32, #tpu.memory_space<hbm>>) dst(%arg13 : memref<16xf32, #tpu.memory_space<vmem>>)
      tpu.yield
    }) : () -> ()
    %get3A = arith.constant 0 : index
    %get3A_3 = tpu.vector_load %arg12[%get3A] {strides = array<i32>} : memref<16xf32, #tpu.memory_space<vmem>>, vector<16xf32>,
    %get3A_4 = arith.constant 0 : index
    %get3A_5 = tpu.vector_load %arg13[%get3A_4] {strides = array<i32>} : memref<16xf32, #tpu.memory_space<vmem>>, vector<16xf32>,
    %iota3A = tpu.iota {dimensions = array<i32: 0>} : vector<16xi32>
    %ge3A = arith.constant 5 : i32
    %ge3A_6 = vector.broadcast %ge3A : i32 to vector<16xi32>
    %ge3A_7 = arith.cmpi sge, %iota3A, %ge3A_6 : vector<16xi32>
    %jit3A = arith.constant 1.000000e+00 : f32
    %jit3A_8 = arith.constant 0.000000e+00 : f32
    %broadcast_in_dim3A = vector.broadcast %jit3A : f32 to vector<16xf32>
    %broadcast_in_dim3A_9 = vector.broadcast %jit3A_8 : f32 to vector<16xf32>
    %select_n3A = arith.select %ge3A_7, %broadcast_in_dim3A, %broadcast_in_dim3A_9 : vector<16xi1>, vector<16xf32>
    %broadcast_in_dim3A_10 = arith.constant 0 : i32
    %broadcast_in_dim3A_11 = vector.broadcast %broadcast_in_dim3A_10 : i32 to vector<16xi32>
    %broadcast_in_dim3A_12 = vector.shape_cast %broadcast_in_dim3A_11 : vector<16xi32> to vector<16x1xi32>
    %gather3A = vector.shape_cast %broadcast_in_dim3A_12 : vector<16x1xi32> to vector<16xi32>
    %gather3A_13 = tpu.dynamic_gather %get3A_3[%gather3A] in [0] : vector<16xf32>, vector<16xi32> -> vector<16xf32>
    %mul3A_14 = arith.mulf %select_n3A, %gather3A_13 : vector<16xf32>
    %broadcast_in_dim3A_15 = vector.shape_cast %broadcast_in_dim3A_11 : vector<16xi32> to vector<16x1xi32>
    %gather3A_16 = vector.shape_cast %broadcast_in_dim3A_15 : vector<16x1xi32> to vector<16xi32>
    %gather3A_17 = tpu.dynamic_gather %get3A_5[%gather3A_16] in [0] : vector<16xf32>, vector<16xi32> -> vector<16xf32>
    %add3A_18 = arith.addf %mul3A_14, %gather3A_17 : vector<16xf32>
    %swap3A = arith.constant 256 : index
    %swap3A_19 = tpu.vector_load %arg11[%swap3A] {strides = array<i32>} : memref<512xf32, #tpu.memory_space<vmem>>, vector<16xf32>,
    tpu.vector_store %arg11[%swap3A], %add3A_18 {strides = array<i32>} : memref<512xf32, #tpu.memory_space<vmem>>, vector<16xf32>,
    %broadcast_in_dim3A_20 = arith.constant 1 : i32
    %broadcast_in_dim3A_21 = vector.broadcast %broadcast_in_dim3A_20 : i32 to vector<16xi32>
    %broadcast_in_dim3A_22 = vector.shape_cast %broadcast_in_dim3A_21 : vector<16xi32> to vector<16x1xi32>
    %gather3A_23 = vector.shape_cast %broadcast_in_dim3A_22 : vector<16x1xi32> to vector<16xi32>
    %gather3A_24 = tpu.dynamic_gather %get3A_3[%gather3A_23] in [0] : vector<16xf32>, vector<16xi32> -> vector<16xf32>
    %mul3A_25 = arith.mulf %select_n3A, %gather3A_24 : vector<16xf32>
    %broadcast_in_dim3A_26 = vector.shape_cast %broadcast_in_dim3A_21 : vector<16xi32> to vector<16x1xi32>
    %gather3A_27 = vector.shape_cast %broadcast_in_dim3A_26 : vector<16x1xi32> to vector<16xi32>
    %gather3A_28 = tpu.dynamic_gather %get3A_5[%gather3A_27] in [0] : vector<16xf32>, vector<16xi32> -> vector<16xf32>
    %add3A_29 = arith.addf %mul3A_25, %gather3A_28 : vector<16xf32>
    %swap3A_30 = arith.constant 272 : index
    %swap3A_31 = tpu.vector_load %arg11[%swap3A_30] {strides = array<i32>} : memref<512xf32, #tpu.memory_space<vmem>>, vector<16xf32>,
    tpu.vector_store %arg11[%swap3A_30], %add3A_29 {strides = array<i32>} : memref<512xf32, #tpu.memory_space<vmem>>, vector<16xf32>,
    %broadcast_in_dim3A_32 = arith.constant 2 : i32
    %broadcast_in_dim3A_33 = vector.broadcast %broadcast_in_dim3A_32 : i32 to vector<16xi32>
    %broadcast_in_dim3A_34 = vector.shape_cast %broadcast_in_dim3A_33 : vector<16xi32> to vector<16x1xi32>
    %gather3A_35 = vector.shape_cast %broadcast_in_dim3A_34 : vector<16x1xi32> to vector<16xi32>
    %gather3A_36 = tpu.dynamic_gather %get3A_3[%gather3A_35] in [0] : vector<16xf32>, vector<16xi32> -> vector<16xf32>
    %mul3A_37 = arith.mulf %select_n3A, %gather3A_36 : vector<16xf32>
    %broadcast_in_dim3A_38 = vector.shape_cast %broadcast_in_dim3A_33 : vector<16xi32> to vector<16x1xi32>
    %gather3A_39 = vector.shape_cast %broadcast_in_dim3A_38 : vector<16x1xi32> to vector<16xi32>
    %gather3A_40 = tpu.dynamic_gather %get3A_5[%gather3A_39] in [0] : vector<16xf32>, vector<16xi32> -> vector<16xf32>
    %add3A_41 = arith.addf %mul3A_37, %gather3A_40 : vector<16xf32>
    %swap3A_42 = arith.constant 288 : index
    %swap3A_43 = tpu.vector_load %arg11[%swap3A_42] {strides = array<i32>} : memref<512xf32, #tpu.memory_space<vmem>>, vector<16xf32>,
    tpu.vector_store %arg11[%swap3A_42], %add3A_41 {strides = array<i32>} : memref<512xf32, #tpu.memory_space<vmem>>, vector<16xf32>,
    %broadcast_in_dim3A_44 = arith.constant 3 : i32
    %broadcast_in_dim3A_45 = vector.broadcast %broadcast_in_dim3A_44 : i32 to vector<16xi32>
    %broadcast_in_dim3A_46 = vector.shape_cast %broadcast_in_dim3A_45 : vector<16xi32> to vector<16x1xi32>
    %gather3A_47 = vector.shape_cast %broadcast_in_dim3A_46 : vector<16x1xi32> to vector<16xi32>
    %gather3A_48 = tpu.dynamic_gather %get3A_3[%gather3A_47] in [0] : vector<16xf32>, vector<16xi32> -> vector<16xf32>
    %mul3A_49 = arith.mulf %select_n3A, %gather3A_48 : vector<16xf32>
    %broadcast_in_dim3A_50 = vector.shape_cast %broadcast_in_dim3A_45 : vector<16xi32> to vector<16x1xi32>
    %gather3A_51 = vector.shape_cast %broadcast_in_dim3A_50 : vector<16x1xi32> to vector<16xi32>
    %gather3A_52 = tpu.dynamic_gather %get3A_5[%gather3A_51] in [0] : vector<16xf32>, vector<16xi32> -> vector<16xf32>
    %add3A_53 = arith.addf %mul3A_49, %gather3A_52 : vector<16xf32>
    %swap3A_54 = arith.constant 304 : index
    %swap3A_55 = tpu.vector_load %arg11[%swap3A_54] {strides = array<i32>} : memref<512xf32, #tpu.memory_space<vmem>>, vector<16xf32>,
    tpu.vector_store %arg11[%swap3A_54], %add3A_53 {strides = array<i32>} : memref<512xf32, #tpu.memory_space<vmem>>, vector<16xf32>,
    %broadcast_in_dim3A_56 = arith.constant 4 : i32
    %broadcast_in_dim3A_57 = vector.broadcast %broadcast_in_dim3A_56 : i32 to vector<16xi32>
    %broadcast_in_dim3A_58 = vector.shape_cast %broadcast_in_dim3A_57 : vector<16xi32> to vector<16x1xi32>
    %gather3A_59 = vector.shape_cast %broadcast_in_dim3A_58 : vector<16x1xi32> to vector<16xi32>
    %gather3A_60 = tpu.dynamic_gather %get3A_3[%gather3A_59] in [0] : vector<16xf32>, vector<16xi32> -> vector<16xf32>
    %mul3A_61 = arith.mulf %select_n3A, %gather3A_60 : vector<16xf32>
    %broadcast_in_dim3A_62 = vector.shape_cast %broadcast_in_dim3A_57 : vector<16xi32> to vector<16x1xi32>
    %gather3A_63 = vector.shape_cast %broadcast_in_dim3A_62 : vector<16x1xi32> to vector<16xi32>
    %gather3A_64 = tpu.dynamic_gather %get3A_5[%gather3A_63] in [0] : vector<16xf32>, vector<16xi32> -> vector<16xf32>
    %add3A_65 = arith.addf %mul3A_61, %gather3A_64 : vector<16xf32>
    %swap3A_66 = arith.constant 320 : index
    %swap3A_67 = tpu.vector_load %arg11[%swap3A_66] {strides = array<i32>} : memref<512xf32, #tpu.memory_space<vmem>>, vector<16xf32>,
    tpu.vector_store %arg11[%swap3A_66], %add3A_65 {strides = array<i32>} : memref<512xf32, #tpu.memory_space<vmem>>, vector<16xf32>,
    %broadcast_in_dim3A_68 = arith.constant 5 : i32
    %broadcast_in_dim3A_69 = vector.broadcast %broadcast_in_dim3A_68 : i32 to vector<16xi32>
    %broadcast_in_dim3A_70 = vector.shape_cast %broadcast_in_dim3A_69 : vector<16xi32> to vector<16x1xi32>
    %gather3A_71 = vector.shape_cast %broadcast_in_dim3A_70 : vector<16x1xi32> to vector<16xi32>
    %gather3A_72 = tpu.dynamic_gather %get3A_3[%gather3A_71] in [0] : vector<16xf32>, vector<16xi32> -> vector<16xf32>
    %mul3A_73 = arith.mulf %select_n3A, %gather3A_72 : vector<16xf32>
    %broadcast_in_dim3A_74 = vector.shape_cast %broadcast_in_dim3A_69 : vector<16xi32> to vector<16x1xi32>
    %gather3A_75 = vector.shape_cast %broadcast_in_dim3A_74 : vector<16x1xi32> to vector<16xi32>
    %gather3A_76 = tpu.dynamic_gather %get3A_5[%gather3A_75] in [0] : vector<16xf32>, vector<16xi32> -> vector<16xf32>
    %add3A_77 = arith.addf %mul3A_73, %gather3A_76 : vector<16xf32>
    %swap3A_78 = arith.constant 336 : index
    %swap3A_79 = tpu.vector_load %arg11[%swap3A_78] {strides = array<i32>} : memref<512xf32, #tpu.memory_space<vmem>>, vector<16xf32>,
    tpu.vector_store %arg11[%swap3A_78], %add3A_77 {strides = array<i32>} : memref<512xf32, #tpu.memory_space<vmem>>, vector<16xf32>,
    %broadcast_in_dim3A_80 = arith.constant 6 : i32
    %broadcast_in_dim3A_81 = vector.broadcast %broadcast_in_dim3A_80 : i32 to vector<16xi32>
    %broadcast_in_dim3A_82 = vector.shape_cast %broadcast_in_dim3A_81 : vector<16xi32> to vector<16x1xi32>
    %gather3A_83 = vector.shape_cast %broadcast_in_dim3A_82 : vector<16x1xi32> to vector<16xi32>
    %gather3A_84 = tpu.dynamic_gather %get3A_3[%gather3A_83] in [0] : vector<16xf32>, vector<16xi32> -> vector<16xf32>
    %mul3A_85 = arith.mulf %select_n3A, %gather3A_84 : vector<16xf32>
    %broadcast_in_dim3A_86 = vector.shape_cast %broadcast_in_dim3A_81 : vector<16xi32> to vector<16x1xi32>
    %gather3A_87 = vector.shape_cast %broadcast_in_dim3A_86 : vector<16x1xi32> to vector<16xi32>
    %gather3A_88 = tpu.dynamic_gather %get3A_5[%gather3A_87] in [0] : vector<16xf32>, vector<16xi32> -> vector<16xf32>
    %add3A_89 = arith.addf %mul3A_85, %gather3A_88 : vector<16xf32>
    %swap3A_90 = arith.constant 352 : index
    %swap3A_91 = tpu.vector_load %arg11[%swap3A_90] {strides = array<i32>} : memref<512xf32, #tpu.memory_space<vmem>>, vector<16xf32>,
    tpu.vector_store %arg11[%swap3A_90], %add3A_89 {strides = array<i32>} : memref<512xf32, #tpu.memory_space<vmem>>, vector<16xf32>,
    %broadcast_in_dim3A_92 = arith.constant 7 : i32
    %broadcast_in_dim3A_93 = vector.broadcast %broadcast_in_dim3A_92 : i32 to vector<16xi32>
    %broadcast_in_dim3A_94 = vector.shape_cast %broadcast_in_dim3A_93 : vector<16xi32> to vector<16x1xi32>
    %gather3A_95 = vector.shape_cast %broadcast_in_dim3A_94 : vector<16x1xi32> to vector<16xi32>
    %gather3A_96 = tpu.dynamic_gather %get3A_3[%gather3A_95] in [0] : vector<16xf32>, vector<16xi32> -> vector<16xf32>
    %mul3A_97 = arith.mulf %select_n3A, %gather3A_96 : vector<16xf32>
    %broadcast_in_dim3A_98 = vector.shape_cast %broadcast_in_dim3A_93 : vector<16xi32> to vector<16x1xi32>
    %gather3A_99 = vector.shape_cast %broadcast_in_dim3A_98 : vector<16x1xi32> to vector<16xi32>
    %gather3A_100 = tpu.dynamic_gather %get3A_5[%gather3A_99] in [0] : vector<16xf32>, vector<16xi32> -> vector<16xf32>
    %add3A_101 = arith.addf %mul3A_97, %gather3A_100 : vector<16xf32>
    %swap3A_102 = arith.constant 368 : index
    %swap3A_103 = tpu.vector_load %arg11[%swap3A_102] {strides = array<i32>} : memref<512xf32, #tpu.memory_space<vmem>>, vector<16xf32>,
    tpu.vector_store %arg11[%swap3A_102], %add3A_101 {strides = array<i32>} : memref<512xf32, #tpu.memory_space<vmem>>, vector<16xf32>,
    %broadcast_in_dim3A_104 = arith.constant 8 : i32
    %broadcast_in_dim3A_105 = vector.broadcast %broadcast_in_dim3A_104 : i32 to vector<16xi32>
    %broadcast_in_dim3A_106 = vector.shape_cast %broadcast_in_dim3A_105 : vector<16xi32> to vector<16x1xi32>
    %gather3A_107 = vector.shape_cast %broadcast_in_dim3A_106 : vector<16x1xi32> to vector<16xi32>
    %gather3A_108 = tpu.dynamic_gather %get3A_3[%gather3A_107] in [0] : vector<16xf32>, vector<16xi32> -> vector<16xf32>
    %mul3A_109 = arith.mulf %select_n3A, %gather3A_108 : vector<16xf32>
    %broadcast_in_dim3A_110 = vector.shape_cast %broadcast_in_dim3A_105 : vector<16xi32> to vector<16x1xi32>
    %gather3A_111 = vector.shape_cast %broadcast_in_dim3A_110 : vector<16x1xi32> to vector<16xi32>
    %gather3A_112 = tpu.dynamic_gather %get3A_5[%gather3A_111] in [0] : vector<16xf32>, vector<16xi32> -> vector<16xf32>
    %add3A_113 = arith.addf %mul3A_109, %gather3A_112 : vector<16xf32>
    %swap3A_114 = arith.constant 384 : index
    %swap3A_115 = tpu.vector_load %arg11[%swap3A_114] {strides = array<i32>} : memref<512xf32, #tpu.memory_space<vmem>>, vector<16xf32>,
    tpu.vector_store %arg11[%swap3A_114], %add3A_113 {strides = array<i32>} : memref<512xf32, #tpu.memory_space<vmem>>, vector<16xf32>,
    %broadcast_in_dim3A_116 = arith.constant 9 : i32
    %broadcast_in_dim3A_117 = vector.broadcast %broadcast_in_dim3A_116 : i32 to vector<16xi32>
    %broadcast_in_dim3A_118 = vector.shape_cast %broadcast_in_dim3A_117 : vector<16xi32> to vector<16x1xi32>
    %gather3A_119 = vector.shape_cast %broadcast_in_dim3A_118 : vector<16x1xi32> to vector<16xi32>
    %gather3A_120 = tpu.dynamic_gather %get3A_3[%gather3A_119] in [0] : vector<16xf32>, vector<16xi32> -> vector<16xf32>
    %mul3A_121 = arith.mulf %select_n3A, %gather3A_120 : vector<16xf32>
    %broadcast_in_dim3A_122 = vector.shape_cast %broadcast_in_dim3A_117 : vector<16xi32> to vector<16x1xi32>
    %gather3A_123 = vector.shape_cast %broadcast_in_dim3A_122 : vector<16x1xi32> to vector<16xi32>
    %gather3A_124 = tpu.dynamic_gather %get3A_5[%gather3A_123] in [0] : vector<16xf32>, vector<16xi32> -> vector<16xf32>
    %add3A_125 = arith.addf %mul3A_121, %gather3A_124 : vector<16xf32>
    %swap3A_126 = arith.constant 400 : index
    %swap3A_127 = tpu.vector_load %arg11[%swap3A_126] {strides = array<i32>} : memref<512xf32, #tpu.memory_space<vmem>>, vector<16xf32>,
    tpu.vector_store %arg11[%swap3A_126], %add3A_125 {strides = array<i32>} : memref<512xf32, #tpu.memory_space<vmem>>, vector<16xf32>,
    %broadcast_in_dim3A_128 = arith.constant 10 : i32
    %broadcast_in_dim3A_129 = vector.broadcast %broadcast_in_dim3A_128 : i32 to vector<16xi32>
    %broadcast_in_dim3A_130 = vector.shape_cast %broadcast_in_dim3A_129 : vector<16xi32> to vector<16x1xi32>
    %gather3A_131 = vector.shape_cast %broadcast_in_dim3A_130 : vector<16x1xi32> to vector<16xi32>
    %gather3A_132 = tpu.dynamic_gather %get3A_3[%gather3A_131] in [0] : vector<16xf32>, vector<16xi32> -> vector<16xf32>
    %mul3A_133 = arith.mulf %select_n3A, %gather3A_132 : vector<16xf32>
    %broadcast_in_dim3A_134 = vector.shape_cast %broadcast_in_dim3A_129 : vector<16xi32> to vector<16x1xi32>
    %gather3A_135 = vector.shape_cast %broadcast_in_dim3A_134 : vector<16x1xi32> to vector<16xi32>
    %gather3A_136 = tpu.dynamic_gather %get3A_5[%gather3A_135] in [0] : vector<16xf32>, vector<16xi32> -> vector<16xf32>
    %add3A_137 = arith.addf %mul3A_133, %gather3A_136 : vector<16xf32>
    %swap3A_138 = arith.constant 416 : index
    %swap3A_139 = tpu.vector_load %arg11[%swap3A_138] {strides = array<i32>} : memref<512xf32, #tpu.memory_space<vmem>>, vector<16xf32>,
    tpu.vector_store %arg11[%swap3A_138], %add3A_137 {strides = array<i32>} : memref<512xf32, #tpu.memory_space<vmem>>, vector<16xf32>,
    %broadcast_in_dim3A_140 = arith.constant 11 : i32
    %broadcast_in_dim3A_141 = vector.broadcast %broadcast_in_dim3A_140 : i32 to vector<16xi32>
    %broadcast_in_dim3A_142 = vector.shape_cast %broadcast_in_dim3A_141 : vector<16xi32> to vector<16x1xi32>
    %gather3A_143 = vector.shape_cast %broadcast_in_dim3A_142 : vector<16x1xi32> to vector<16xi32>
    %gather3A_144 = tpu.dynamic_gather %get3A_3[%gather3A_143] in [0] : vector<16xf32>, vector<16xi32> -> vector<16xf32>
    %mul3A_145 = arith.mulf %select_n3A, %gather3A_144 : vector<16xf32>
    %broadcast_in_dim3A_146 = vector.shape_cast %broadcast_in_dim3A_141 : vector<16xi32> to vector<16x1xi32>
    %gather3A_147 = vector.shape_cast %broadcast_in_dim3A_146 : vector<16x1xi32> to vector<16xi32>
    %gather3A_148 = tpu.dynamic_gather %get3A_5[%gather3A_147] in [0] : vector<16xf32>, vector<16xi32> -> vector<16xf32>
    %add3A_149 = arith.addf %mul3A_145, %gather3A_148 : vector<16xf32>
    %swap3A_150 = arith.constant 432 : index
    %swap3A_151 = tpu.vector_load %arg11[%swap3A_150] {strides = array<i32>} : memref<512xf32, #tpu.memory_space<vmem>>, vector<16xf32>,
    tpu.vector_store %arg11[%swap3A_150], %add3A_149 {strides = array<i32>} : memref<512xf32, #tpu.memory_space<vmem>>, vector<16xf32>,
    %broadcast_in_dim3A_152 = arith.constant 12 : i32
    %broadcast_in_dim3A_153 = vector.broadcast %broadcast_in_dim3A_152 : i32 to vector<16xi32>
    %broadcast_in_dim3A_154 = vector.shape_cast %broadcast_in_dim3A_153 : vector<16xi32> to vector<16x1xi32>
    %gather3A_155 = vector.shape_cast %broadcast_in_dim3A_154 : vector<16x1xi32> to vector<16xi32>
    %gather3A_156 = tpu.dynamic_gather %get3A_3[%gather3A_155] in [0] : vector<16xf32>, vector<16xi32> -> vector<16xf32>
    %mul3A_157 = arith.mulf %select_n3A, %gather3A_156 : vector<16xf32>
    %broadcast_in_dim3A_158 = vector.shape_cast %broadcast_in_dim3A_153 : vector<16xi32> to vector<16x1xi32>
    %gather3A_159 = vector.shape_cast %broadcast_in_dim3A_158 : vector<16x1xi32> to vector<16xi32>
    %gather3A_160 = tpu.dynamic_gather %get3A_5[%gather3A_159] in [0] : vector<16xf32>, vector<16xi32> -> vector<16xf32>
    %add3A_161 = arith.addf %mul3A_157, %gather3A_160 : vector<16xf32>
    %swap3A_162 = arith.constant 448 : index
    %swap3A_163 = tpu.vector_load %arg11[%swap3A_162] {strides = array<i32>} : memref<512xf32, #tpu.memory_space<vmem>>, vector<16xf32>,
    tpu.vector_store %arg11[%swap3A_162], %add3A_161 {strides = array<i32>} : memref<512xf32, #tpu.memory_space<vmem>>, vector<16xf32>,
    %broadcast_in_dim3A_164 = arith.constant 13 : i32
    %broadcast_in_dim3A_165 = vector.broadcast %broadcast_in_dim3A_164 : i32 to vector<16xi32>
    %broadcast_in_dim3A_166 = vector.shape_cast %broadcast_in_dim3A_165 : vector<16xi32> to vector<16x1xi32>
    %gather3A_167 = vector.shape_cast %broadcast_in_dim3A_166 : vector<16x1xi32> to vector<16xi32>
    %gather3A_168 = tpu.dynamic_gather %get3A_3[%gather3A_167] in [0] : vector<16xf32>, vector<16xi32> -> vector<16xf32>
    %mul3A_169 = arith.mulf %select_n3A, %gather3A_168 : vector<16xf32>
    %broadcast_in_dim3A_170 = vector.shape_cast %broadcast_in_dim3A_165 : vector<16xi32> to vector<16x1xi32>
    %gather3A_171 = vector.shape_cast %broadcast_in_dim3A_170 : vector<16x1xi32> to vector<16xi32>
    %gather3A_172 = tpu.dynamic_gather %get3A_5[%gather3A_171] in [0] : vector<16xf32>, vector<16xi32> -> vector<16xf32>
    %add3A_173 = arith.addf %mul3A_169, %gather3A_172 : vector<16xf32>
    %swap3A_174 = arith.constant 464 : index
    %swap3A_175 = tpu.vector_load %arg11[%swap3A_174] {strides = array<i32>} : memref<512xf32, #tpu.memory_space<vmem>>, vector<16xf32>,
    tpu.vector_store %arg11[%swap3A_174], %add3A_173 {strides = array<i32>} : memref<512xf32, #tpu.memory_space<vmem>>, vector<16xf32>,
    %broadcast_in_dim3A_176 = arith.constant 14 : i32
    %broadcast_in_dim3A_177 = vector.broadcast %broadcast_in_dim3A_176 : i32 to vector<16xi32>
    %broadcast_in_dim3A_178 = vector.shape_cast %broadcast_in_dim3A_177 : vector<16xi32> to vector<16x1xi32>
    %gather3A_179 = vector.shape_cast %broadcast_in_dim3A_178 : vector<16x1xi32> to vector<16xi32>
    %gather3A_180 = tpu.dynamic_gather %get3A_3[%gather3A_179] in [0] : vector<16xf32>, vector<16xi32> -> vector<16xf32>
    %mul3A_181 = arith.mulf %select_n3A, %gather3A_180 : vector<16xf32>
    %broadcast_in_dim3A_182 = vector.shape_cast %broadcast_in_dim3A_177 : vector<16xi32> to vector<16x1xi32>
    %gather3A_183 = vector.shape_cast %broadcast_in_dim3A_182 : vector<16x1xi32> to vector<16xi32>
    %gather3A_184 = tpu.dynamic_gather %get3A_5[%gather3A_183] in [0] : vector<16xf32>, vector<16xi32> -> vector<16xf32>
    %add3A_185 = arith.addf %mul3A_181, %gather3A_184 : vector<16xf32>
    %swap3A_186 = arith.constant 480 : index
    %swap3A_187 = tpu.vector_load %arg11[%swap3A_186] {strides = array<i32>} : memref<512xf32, #tpu.memory_space<vmem>>, vector<16xf32>,
    tpu.vector_store %arg11[%swap3A_186], %add3A_185 {strides = array<i32>} : memref<512xf32, #tpu.memory_space<vmem>>, vector<16xf32>,
    %broadcast_in_dim3A_188 = arith.constant 15 : i32
    %broadcast_in_dim3A_189 = vector.broadcast %broadcast_in_dim3A_188 : i32 to vector<16xi32>
    %broadcast_in_dim3A_190 = vector.shape_cast %broadcast_in_dim3A_189 : vector<16xi32> to vector<16x1xi32>
    %gather3A_191 = vector.shape_cast %broadcast_in_dim3A_190 : vector<16x1xi32> to vector<16xi32>
    %gather3A_192 = tpu.dynamic_gather %get3A_3[%gather3A_191] in [0] : vector<16xf32>, vector<16xi32> -> vector<16xf32>
    %mul3A_193 = arith.mulf %select_n3A, %gather3A_192 : vector<16xf32>
    %broadcast_in_dim3A_194 = vector.shape_cast %broadcast_in_dim3A_189 : vector<16xi32> to vector<16x1xi32>
    %gather3A_195 = vector.shape_cast %broadcast_in_dim3A_194 : vector<16x1xi32> to vector<16xi32>
    %gather3A_196 = tpu.dynamic_gather %get3A_5[%gather3A_195] in [0] : vector<16xf32>, vector<16xi32> -> vector<16xf32>
    %add3A_197 = arith.addf %mul3A_193, %gather3A_196 : vector<16xf32>
    %swap3A_198 = arith.constant 496 : index
    %swap3A_199 = tpu.vector_load %arg11[%swap3A_198] {strides = array<i32>} : memref<512xf32, #tpu.memory_space<vmem>>, vector<16xf32>,
    tpu.vector_store %arg11[%swap3A_198], %add3A_197 {strides = array<i32>} : memref<512xf32, #tpu.memory_space<vmem>>, vector<16xf32>,
    %add3A_200 = arith.constant 0 : i32
    %add3A_201 = arith.addi %mul3A_2, %add3A_200 : i32
    %shift_right_arithmetic3A = arith.constant 2 : i32
    %shift_right_arithmetic3A_202 = arith.shrsi %add3A_201, %shift_right_arithmetic3A : i32
    %and3A = arith.constant 3 : i32
    %and3A_203 = arith.andi %add3A_201, %and3A : i32
    %mul3A_204 = arith.constant 16384 : i32
    %mul3A_205 = arith.muli %shift_right_arithmetic3A_202, %mul3A_204 : i32
    %add3A_206 = arith.constant 0 : i32
    %add3A_207 = arith.addi %mul3A_205, %add3A_206 : i32
    %multiple_of3A = tpu.assume_multiple %add3A_207, 4096 : i32
    %dma_start3A = tpu.memref_slice %arg2[%multiple_of3A] : memref<3276800xi32, #tpu.memory_space<hbm>> -> memref<4096xi32, #tpu.memory_space<hbm>>
    %dma_start3A_208 = tpu.memref_slice %arg2[%multiple_of3A] : memref<3276800xi32, #tpu.memory_space<hbm>> -> memref<4096xi32, #tpu.memory_space<hbm>>
    tpu.enqueue_dma source(%dma_start3A_208 : memref<4096xi32, #tpu.memory_space<hbm>>) target(%arg7 : memref<4096xi32, #tpu.memory_space<vmem>>) target_semaphore(%arg14 : memref<!tpu.dma_semaphore, #tpu.memory_space<semaphore_mem>>)
    %add3A_209 = arith.constant 0 : i32
    %add3A_210 = arith.addi %mul3A_2, %add3A_209 : i32
    %shift_right_arithmetic3A_211 = arith.constant 2 : i32
    %shift_right_arithmetic3A_212 = arith.shrsi %add3A_210, %shift_right_arithmetic3A_211 : i32
    %and3A_213 = arith.constant 3 : i32
    %and3A_214 = arith.andi %add3A_210, %and3A_213 : i32
    %mul3A_215 = arith.constant 16384 : i32
    %mul3A_216 = arith.muli %shift_right_arithmetic3A_212, %mul3A_215 : i32
    %add3A_217 = arith.constant 4096 : i32
    %add3A_218 = arith.addi %mul3A_216, %add3A_217 : i32
    %multiple_of3A_219 = tpu.assume_multiple %add3A_218, 4096 : i32
    %dma_start3A_220 = tpu.memref_slice %arg2[%multiple_of3A_219] : memref<3276800xi32, #tpu.memory_space<hbm>> -> memref<4096xi32, #tpu.memory_space<hbm>>
    %dma_start3A_221 = tpu.memref_slice %arg2[%multiple_of3A_219] : memref<3276800xi32, #tpu.memory_space<hbm>> -> memref<4096xi32, #tpu.memory_space<hbm>>
    tpu.enqueue_dma source(%dma_start3A_221 : memref<4096xi32, #tpu.memory_space<hbm>>) target(%arg8 : memref<4096xi32, #tpu.memory_space<vmem>>) target_semaphore(%arg15 : memref<!tpu.dma_semaphore, #tpu.memory_space<semaphore_mem>>)
    %scan3A = arith.constant 0 : i32
    %scan3A_222 = arith.constant 0 : i32
    %scan3A_223 = arith.constant 50 : i32
    %scan3A_224 = arith.addi %scan3A_222, %scan3A_223 : i32
    %scan3A_225 = arith.constant 1 : i32
    scf.for %scan3A_254 = %scan3A_222 to %scan3A_224 step %scan3A_225  : i32 {
      %mul3A_255 = arith.constant 2 : i32
      %mul3A_256 = arith.muli %mul3A_255, %scan3A_254 : i32
      %add3A_257 = arith.constant 0 : i32
      %add3A_258 = arith.addi %mul3A_256, %add3A_257 : i32
      %shift_right_arithmetic3A_259 = arith.constant 2 : i32
      %shift_right_arithmetic3A_260 = arith.shrsi %add3A_258, %shift_right_arithmetic3A_259 : i32
      %add3A_261 = arith.addi %mul3A_2, %shift_right_arithmetic3A_260 : i32
      %shift_right_arithmetic3A_262 = arith.constant 2 : i32
      %shift_right_arithmetic3A_263 = arith.shrsi %add3A_261, %shift_right_arithmetic3A_262 : i32
      %and3A_264 = arith.constant 3 : i32
      %and3A_265 = arith.andi %add3A_261, %and3A_264 : i32
      %and3A_266 = arith.constant 3 : i32
      %and3A_267 = arith.andi %add3A_258, %and3A_266 : i32
      %mul3A_268 = arith.constant 16384 : i32
      %mul3A_269 = arith.muli %shift_right_arithmetic3A_263, %mul3A_268 : i32
      %mul3A_270 = arith.constant 4096 : i32
      %mul3A_271 = arith.muli %and3A_267, %mul3A_270 : i32
      %add3A_272 = arith.addi %mul3A_269, %mul3A_271 : i32
      %multiple_of3A_273 = tpu.assume_multiple %add3A_272, 4096 : i32
      %dma_wait3A_274 = tpu.memref_slice %arg2[%multiple_of3A_273] : memref<3276800xi32, #tpu.memory_space<hbm>> -> memref<4096xi32, #tpu.memory_space<hbm>>
      %dma_wait3A_275 = tpu.memref_slice %arg2[%multiple_of3A_273] : memref<3276800xi32, #tpu.memory_space<hbm>> -> memref<4096xi32, #tpu.memory_space<hbm>>
      tpu.wait_dma2 semaphore(%arg14 : memref<!tpu.dma_semaphore, #tpu.memory_space<semaphore_mem>>) src(%dma_wait3A_275 : memref<4096xi32, #tpu.memory_space<hbm>>) dst(%arg7 : memref<4096xi32, #tpu.memory_space<vmem>>)
      %ge3A_276 = arith.constant 1 : i32
      %ge3A_277 = arith.cmpi sge, %scan3A_254, %ge3A_276 : i32
      %convert_element_type3A = arith.extui %ge3A_277 : i1 to i32
      %cond3A = arith.constant 0 : i32
      %cond3A_278 = arith.cmpi ne, %convert_element_type3A, %cond3A : i32
      scf.if %cond3A_278 {
        %sub3A = arith.constant 2 : i32
        %sub3A_450 = arith.subi %add3A_258, %sub3A : i32
        %shift_right_arithmetic3A_451 = arith.constant 2 : i32
        %shift_right_arithmetic3A_452 = arith.shrsi %sub3A_450, %shift_right_arithmetic3A_451 : i32
        %add3A_453 = arith.addi %mul3A_2, %shift_right_arithmetic3A_452 : i32
        %shift_right_arithmetic3A_454 = arith.constant 2 : i32
        %shift_right_arithmetic3A_455 = arith.shrsi %add3A_453, %shift_right_arithmetic3A_454 : i32
        %and3A_456 = arith.constant 3 : i32
        %and3A_457 = arith.andi %add3A_453, %and3A_456 : i32
        %and3A_458 = arith.constant 3 : i32
        %and3A_459 = arith.andi %sub3A_450, %and3A_458 : i32
        %mul3A_460 = arith.constant 8 : i32
        %mul3A_461 = arith.muli %and3A_457, %mul3A_460 : i32
        %mul3A_462 = arith.constant 4096 : i32
        %mul3A_463 = arith.muli %and3A_459, %mul3A_462 : i32
        %multiple_of3A_464 = tpu.assume_multiple %mul3A_463, 4096 : i32
        %dma_wait3A_465 = tpu.memref_slice %arg6[%shift_right_arithmetic3A_455, %mul3A_461, %multiple_of3A_464] : memref<200x32x16384xf32, #tpu.memory_space<hbm>> -> memref<1x8x4096xf32, #tpu.memory_space<hbm>>
        %dma_wait3A_466 = tpu.memref_squeeze %dma_wait3A_465 : memref<1x8x4096xf32, #tpu.memory_space<hbm>> -> memref<8x4096xf32, #tpu.memory_space<hbm>>
        %dma_wait3A_467 = tpu.memref_slice %arg6[%shift_right_arithmetic3A_455, %mul3A_461, %multiple_of3A_464] : memref<200x32x16384xf32, #tpu.memory_space<hbm>> -> memref<1x8x4096xf32, #tpu.memory_space<hbm>>
        %dma_wait3A_468 = tpu.memref_squeeze %dma_wait3A_467 : memref<1x8x4096xf32, #tpu.memory_space<hbm>> -> memref<8x4096xf32, #tpu.memory_space<hbm>>
        tpu.wait_dma2 semaphore(%arg16 : memref<!tpu.dma_semaphore, #tpu.memory_space<semaphore_mem>>) src(%arg9 : memref<8x4096xf32, #tpu.memory_space<vmem>>) dst(%dma_wait3A_468 : memref<8x4096xf32, #tpu.memory_space<hbm>>)
      } else {
      }
      %shift_right_arithmetic3A_279 = arith.constant 2 : i32
      %shift_right_arithmetic3A_280 = arith.shrsi %add3A_258, %shift_right_arithmetic3A_279 : i32
      %add3A_281 = arith.addi %mul3A_2, %shift_right_arithmetic3A_280 : i32
      %shift_right_arithmetic3A_282 = arith.constant 2 : i32
      %shift_right_arithmetic3A_283 = arith.shrsi %add3A_281, %shift_right_arithmetic3A_282 : i32
      %and3A_284 = arith.constant 3 : i32
      %and3A_285 = arith.andi %add3A_281, %and3A_284 : i32
      %and3A_286 = arith.constant 3 : i32
      %and3A_287 = arith.andi %add3A_258, %and3A_286 : i32
      %mul3A_288 = arith.constant 128 : i32
      %mul3A_289 = arith.muli %and3A_285, %mul3A_288 : i32
      %multiple_of3A_290 = tpu.assume_multiple %mul3A_289, 128 : i32
      %add3A_291 = arith.constant 0 : i32
      %add3A_292 = arith.addi %multiple_of3A_290, %add3A_291 : i32
      %get3A_293 = arith.index_cast %add3A_292 : i32 to index
      %get3A_294 = tpu.vector_load %arg11[%get3A_293] {strides = array<i32>} : memref<512xf32, #tpu.memory_space<vmem>>, vector<16xf32>,
      %add3A_295 = arith.constant 16 : i32
      %add3A_296 = arith.addi %multiple_of3A_290, %add3A_295 : i32
      %get3A_297 = arith.index_cast %add3A_296 : i32 to index
      %get3A_298 = tpu.vector_load %arg11[%get3A_297] {strides = array<i32>} : memref<512xf32, #tpu.memory_space<vmem>>, vector<16xf32>,
      %add3A_299 = arith.constant 32 : i32
      %add3A_300 = arith.addi %multiple_of3A_290, %add3A_299 : i32
      %get3A_301 = arith.index_cast %add3A_300 : i32 to index
      %get3A_302 = tpu.vector_load %arg11[%get3A_301] {strides = array<i32>} : memref<512xf32, #tpu.memory_space<vmem>>, vector<16xf32>,
      %add3A_303 = arith.constant 48 : i32
      %add3A_304 = arith.addi %multiple_of3A_290, %add3A_303 : i32
      %get3A_305 = arith.index_cast %add3A_304 : i32 to index
      %get3A_306 = tpu.vector_load %arg11[%get3A_305] {strides = array<i32>} : memref<512xf32, #tpu.memory_space<vmem>>, vector<16xf32>,
      %add3A_307 = arith.constant 64 : i32
      %add3A_308 = arith.addi %multiple_of3A_290, %add3A_307 : i32
      %get3A_309 = arith.index_cast %add3A_308 : i32 to index
      %get3A_310 = tpu.vector_load %arg11[%get3A_309] {strides = array<i32>} : memref<512xf32, #tpu.memory_space<vmem>>, vector<16xf32>,
      %add3A_311 = arith.constant 80 : i32
      %add3A_312 = arith.addi %multiple_of3A_290, %add3A_311 : i32
      %get3A_313 = arith.index_cast %add3A_312 : i32 to index
      %get3A_314 = tpu.vector_load %arg11[%get3A_313] {strides = array<i32>} : memref<512xf32, #tpu.memory_space<vmem>>, vector<16xf32>,
      %add3A_315 = arith.constant 96 : i32
      %add3A_316 = arith.addi %multiple_of3A_290, %add3A_315 : i32
      %get3A_317 = arith.index_cast %add3A_316 : i32 to index
      %get3A_318 = tpu.vector_load %arg11[%get3A_317] {strides = array<i32>} : memref<512xf32, #tpu.memory_space<vmem>>, vector<16xf32>,
      %add3A_319 = arith.constant 112 : i32
      %add3A_320 = arith.addi %multiple_of3A_290, %add3A_319 : i32
      %get3A_321 = arith.index_cast %add3A_320 : i32 to index
      %get3A_322 = tpu.vector_load %arg11[%get3A_321] {strides = array<i32>} : memref<512xf32, #tpu.memory_space<vmem>>, vector<16xf32>,
      %scan3A_323 = arith.constant 0 : i32
      %scan3A_324 = arith.constant 0 : i32
      %scan3A_325 = arith.constant 256 : i32
      %scan3A_326 = arith.addi %scan3A_324, %scan3A_325 : i32
      %scan3A_327 = arith.constant 1 : i32
      scf.for %scan3A_450 = %scan3A_324 to %scan3A_326 step %scan3A_327  : i32 {
        %mul3A_451 = arith.constant 16 : i32
        %mul3A_452 = arith.muli %scan3A_450, %mul3A_451 : i32
        %multiple_of3A_453 = tpu.assume_multiple %mul3A_452, 16 : i32
        %get3A_454 = arith.index_cast %multiple_of3A_453 : i32 to index
        %get3A_455 = tpu.vector_load %arg7[%get3A_454] {strides = array<i32>} : memref<4096xi32, #tpu.memory_space<vmem>>, vector<16xi32>,
        %broadcast_in_dim3A_456 = vector.shape_cast %get3A_455 : vector<16xi32> to vector<16x1xi32>
        %gather3A_457 = vector.shape_cast %broadcast_in_dim3A_456 : vector<16x1xi32> to vector<16xi32>
        %gather3A_458 = tpu.dynamic_gather %get3A_294[%gather3A_457] in [0] : vector<16xf32>, vector<16xi32> -> vector<16xf32>
        %swap3A_459 = arith.constant 0 : i32
        %swap3A_460 = arith.index_cast %swap3A_459 : i32 to index
        %swap3A_461 = arith.index_cast %multiple_of3A_453 : i32 to index
        %swap3A_462 = tpu.vector_load %arg9[%swap3A_460, %swap3A_461] {strides = array<i32>} : memref<8x4096xf32, #tpu.memory_space<vmem>>, vector<16xf32>,
        tpu.vector_store %arg9[%swap3A_460, %swap3A_461], %gather3A_458 {strides = array<i32>} : memref<8x4096xf32, #tpu.memory_space<vmem>>, vector<16xf32>,
        %broadcast_in_dim3A_463 = vector.shape_cast %get3A_455 : vector<16xi32> to vector<16x1xi32>
        %gather3A_464 = vector.shape_cast %broadcast_in_dim3A_463 : vector<16x1xi32> to vector<16xi32>
        %gather3A_465 = tpu.dynamic_gather %get3A_298[%gather3A_464] in [0] : vector<16xf32>, vector<16xi32> -> vector<16xf32>
        %swap3A_466 = arith.constant 1 : i32
        %swap3A_467 = arith.index_cast %swap3A_466 : i32 to index
        %swap3A_468 = arith.index_cast %multiple_of3A_453 : i32 to index
        %swap3A_469 = tpu.vector_load %arg9[%swap3A_467, %swap3A_468] {strides = array<i32>} : memref<8x4096xf32, #tpu.memory_space<vmem>>, vector<16xf32>,
        tpu.vector_store %arg9[%swap3A_467, %swap3A_468], %gather3A_465 {strides = array<i32>} : memref<8x4096xf32, #tpu.memory_space<vmem>>, vector<16xf32>,
        %broadcast_in_dim3A_470 = vector.shape_cast %get3A_455 : vector<16xi32> to vector<16x1xi32>
        %gather3A_471 = vector.shape_cast %broadcast_in_dim3A_470 : vector<16x1xi32> to vector<16xi32>
        %gather3A_472 = tpu.dynamic_gather %get3A_302[%gather3A_471] in [0] : vector<16xf32>, vector<16xi32> -> vector<16xf32>
        %swap3A_473 = arith.constant 2 : i32
        %swap3A_474 = arith.index_cast %swap3A_473 : i32 to index
        %swap3A_475 = arith.index_cast %multiple_of3A_453 : i32 to index
        %swap3A_476 = tpu.vector_load %arg9[%swap3A_474, %swap3A_475] {strides = array<i32>} : memref<8x4096xf32, #tpu.memory_space<vmem>>, vector<16xf32>,
        tpu.vector_store %arg9[%swap3A_474, %swap3A_475], %gather3A_472 {strides = array<i32>} : memref<8x4096xf32, #tpu.memory_space<vmem>>, vector<16xf32>,
        %broadcast_in_dim3A_477 = vector.shape_cast %get3A_455 : vector<16xi32> to vector<16x1xi32>
        %gather3A_478 = vector.shape_cast %broadcast_in_dim3A_477 : vector<16x1xi32> to vector<16xi32>
        %gather3A_479 = tpu.dynamic_gather %get3A_306[%gather3A_478] in [0] : vector<16xf32>, vector<16xi32> -> vector<16xf32>
        %swap3A_480 = arith.constant 3 : i32
        %swap3A_481 = arith.index_cast %swap3A_480 : i32 to index
        %swap3A_482 = arith.index_cast %multiple_of3A_453 : i32 to index
        %swap3A_483 = tpu.vector_load %arg9[%swap3A_481, %swap3A_482] {strides = array<i32>} : memref<8x4096xf32, #tpu.memory_space<vmem>>, vector<16xf32>,
        tpu.vector_store %arg9[%swap3A_481, %swap3A_482], %gather3A_479 {strides = array<i32>} : memref<8x4096xf32, #tpu.memory_space<vmem>>, vector<16xf32>,
        %broadcast_in_dim3A_484 = vector.shape_cast %get3A_455 : vector<16xi32> to vector<16x1xi32>
        %gather3A_485 = vector.shape_cast %broadcast_in_dim3A_484 : vector<16x1xi32> to vector<16xi32>
        %gather3A_486 = tpu.dynamic_gather %get3A_310[%gather3A_485] in [0] : vector<16xf32>, vector<16xi32> -> vector<16xf32>
        %swap3A_487 = arith.constant 4 : i32
        %swap3A_488 = arith.index_cast %swap3A_487 : i32 to index
        %swap3A_489 = arith.index_cast %multiple_of3A_453 : i32 to index
        %swap3A_490 = tpu.vector_load %arg9[%swap3A_488, %swap3A_489] {strides = array<i32>} : memref<8x4096xf32, #tpu.memory_space<vmem>>, vector<16xf32>,
        tpu.vector_store %arg9[%swap3A_488, %swap3A_489], %gather3A_486 {strides = array<i32>} : memref<8x4096xf32, #tpu.memory_space<vmem>>, vector<16xf32>,
        %broadcast_in_dim3A_491 = vector.shape_cast %get3A_455 : vector<16xi32> to vector<16x1xi32>
        %gather3A_492 = vector.shape_cast %broadcast_in_dim3A_491 : vector<16x1xi32> to vector<16xi32>
        %gather3A_493 = tpu.dynamic_gather %get3A_314[%gather3A_492] in [0] : vector<16xf32>, vector<16xi32> -> vector<16xf32>
        %swap3A_494 = arith.constant 5 : i32
        %swap3A_495 = arith.index_cast %swap3A_494 : i32 to index
        %swap3A_496 = arith.index_cast %multiple_of3A_453 : i32 to index
        %swap3A_497 = tpu.vector_load %arg9[%swap3A_495, %swap3A_496] {strides = array<i32>} : memref<8x4096xf32, #tpu.memory_space<vmem>>, vector<16xf32>,
        tpu.vector_store %arg9[%swap3A_495, %swap3A_496], %gather3A_493 {strides = array<i32>} : memref<8x4096xf32, #tpu.memory_space<vmem>>, vector<16xf32>,
        %broadcast_in_dim3A_498 = vector.shape_cast %get3A_455 : vector<16xi32> to vector<16x1xi32>
        %gather3A_499 = vector.shape_cast %broadcast_in_dim3A_498 : vector<16x1xi32> to vector<16xi32>
        %gather3A_500 = tpu.dynamic_gather %get3A_318[%gather3A_499] in [0] : vector<16xf32>, vector<16xi32> -> vector<16xf32>
        %swap3A_501 = arith.constant 6 : i32
        %swap3A_502 = arith.index_cast %swap3A_501 : i32 to index
        %swap3A_503 = arith.index_cast %multiple_of3A_453 : i32 to index
        %swap3A_504 = tpu.vector_load %arg9[%swap3A_502, %swap3A_503] {strides = array<i32>} : memref<8x4096xf32, #tpu.memory_space<vmem>>, vector<16xf32>,
        tpu.vector_store %arg9[%swap3A_502, %swap3A_503], %gather3A_500 {strides = array<i32>} : memref<8x4096xf32, #tpu.memory_space<vmem>>, vector<16xf32>,
        %broadcast_in_dim3A_505 = vector.shape_cast %get3A_455 : vector<16xi32> to vector<16x1xi32>
        %gather3A_506 = vector.shape_cast %broadcast_in_dim3A_505 : vector<16x1xi32> to vector<16xi32>
        %gather3A_507 = tpu.dynamic_gather %get3A_322[%gather3A_506] in [0] : vector<16xf32>, vector<16xi32> -> vector<16xf32>
        %swap3A_508 = arith.constant 7 : i32
        %swap3A_509 = arith.index_cast %swap3A_508 : i32 to index
        %swap3A_510 = arith.index_cast %multiple_of3A_453 : i32 to index
        %swap3A_511 = tpu.vector_load %arg9[%swap3A_509, %swap3A_510] {strides = array<i32>} : memref<8x4096xf32, #tpu.memory_space<vmem>>, vector<16xf32>,
        tpu.vector_store %arg9[%swap3A_509, %swap3A_510], %gather3A_507 {strides = array<i32>} : memref<8x4096xf32, #tpu.memory_space<vmem>>, vector<16xf32>,
      }
      %scan3A_328 = arith.constant 256 : i32
      %shift_right_arithmetic3A_329 = arith.constant 2 : i32
      %shift_right_arithmetic3A_330 = arith.shrsi %add3A_258, %shift_right_arithmetic3A_329 : i32
      %add3A_331 = arith.addi %mul3A_2, %shift_right_arithmetic3A_330 : i32
      %shift_right_arithmetic3A_332 = arith.constant 2 : i32
      %shift_right_arithmetic3A_333 = arith.shrsi %add3A_331, %shift_right_arithmetic3A_332 : i32
      %and3A_334 = arith.constant 3 : i32
      %and3A_335 = arith.andi %add3A_331, %and3A_334 : i32
      %and3A_336 = arith.constant 3 : i32
      %and3A_337 = arith.andi %add3A_258, %and3A_336 : i32
      %mul3A_338 = arith.constant 8 : i32
      %mul3A_339 = arith.muli %and3A_335, %mul3A_338 : i32
      %mul3A_340 = arith.constant 4096 : i32
      %mul3A_341 = arith.muli %and3A_337, %mul3A_340 : i32
      %multiple_of3A_342 = tpu.assume_multiple %mul3A_341, 4096 : i32
      %dma_start3A_343 = tpu.memref_slice %arg6[%shift_right_arithmetic3A_333, %mul3A_339, %multiple_of3A_342] : memref<200x32x16384xf32, #tpu.memory_space<hbm>> -> memref<1x8x4096xf32, #tpu.memory_space<hbm>>
      %dma_start3A_344 = tpu.memref_squeeze %dma_start3A_343 : memref<1x8x4096xf32, #tpu.memory_space<hbm>> -> memref<8x4096xf32, #tpu.memory_space<hbm>>
      %dma_start3A_345 = tpu.memref_slice %arg6[%shift_right_arithmetic3A_333, %mul3A_339, %multiple_of3A_342] : memref<200x32x16384xf32, #tpu.memory_space<hbm>> -> memref<1x8x4096xf32, #tpu.memory_space<hbm>>
      %dma_start3A_346 = tpu.memref_squeeze %dma_start3A_345 : memref<1x8x4096xf32, #tpu.memory_space<hbm>> -> memref<8x4096xf32, #tpu.memory_space<hbm>>
      tpu.enqueue_dma source(%arg9 : memref<8x4096xf32, #tpu.memory_space<vmem>>) target(%dma_start3A_346 : memref<8x4096xf32, #tpu.memory_space<hbm>>) target_semaphore(%arg16 : memref<!tpu.dma_semaphore, #tpu.memory_space<semaphore_mem>>)
      %lt3A = arith.constant 49 : i32
      %lt3A_347 = arith.cmpi slt, %scan3A_254, %lt3A : i32
      %convert_element_type3A_348 = arith.extui %lt3A_347 : i1 to i32
      %cond3A_349 = arith.constant 0 : i32
      %cond3A_350 = arith.cmpi ne, %convert_element_type3A_348, %cond3A_349 : i32
      scf.if %cond3A_350 {
        %add3A_450 = arith.constant 2 : i32
        %add3A_451 = arith.addi %add3A_258, %add3A_450 : i32
        %shift_right_arithmetic3A_452 = arith.constant 2 : i32
        %shift_right_arithmetic3A_453 = arith.shrsi %add3A_451, %shift_right_arithmetic3A_452 : i32
        %add3A_454 = arith.addi %mul3A_2, %shift_right_arithmetic3A_453 : i32
        %shift_right_arithmetic3A_455 = arith.constant 2 : i32
        %shift_right_arithmetic3A_456 = arith.shrsi %add3A_454, %shift_right_arithmetic3A_455 : i32
        %and3A_457 = arith.constant 3 : i32
        %and3A_458 = arith.andi %add3A_454, %and3A_457 : i32
        %and3A_459 = arith.constant 3 : i32
        %and3A_460 = arith.andi %add3A_451, %and3A_459 : i32
        %mul3A_461 = arith.constant 16384 : i32
        %mul3A_462 = arith.muli %shift_right_arithmetic3A_456, %mul3A_461 : i32
        %mul3A_463 = arith.constant 4096 : i32
        %mul3A_464 = arith.muli %and3A_460, %mul3A_463 : i32
        %add3A_465 = arith.addi %mul3A_462, %mul3A_464 : i32
        %multiple_of3A_466 = tpu.assume_multiple %add3A_465, 4096 : i32
        %dma_start3A_467 = tpu.memref_slice %arg2[%multiple_of3A_466] : memref<3276800xi32, #tpu.memory_space<hbm>> -> memref<4096xi32, #tpu.memory_space<hbm>>
        %dma_start3A_468 = tpu.memref_slice %arg2[%multiple_of3A_466] : memref<3276800xi32, #tpu.memory_space<hbm>> -> memref<4096xi32, #tpu.memory_space<hbm>>
        tpu.enqueue_dma source(%dma_start3A_468 : memref<4096xi32, #tpu.memory_space<hbm>>) target(%arg7 : memref<4096xi32, #tpu.memory_space<vmem>>) target_semaphore(%arg14 : memref<!tpu.dma_semaphore, #tpu.memory_space<semaphore_mem>>)
      } else {
      }
      %mul3A_351 = arith.constant 2 : i32
      %mul3A_352 = arith.muli %mul3A_351, %scan3A_254 : i32
      %add3A_353 = arith.constant 1 : i32
      %add3A_354 = arith.addi %mul3A_352, %add3A_353 : i32
      %shift_right_arithmetic3A_355 = arith.constant 2 : i32
      %shift_right_arithmetic3A_356 = arith.shrsi %add3A_354, %shift_right_arithmetic3A_355 : i32
      %add3A_357 = arith.addi %mul3A_2, %shift_right_arithmetic3A_356 : i32
      %shift_right_arithmetic3A_358 = arith.constant 2 : i32
      %shift_right_arithmetic3A_359 = arith.shrsi %add3A_357, %shift_right_arithmetic3A_358 : i32
      %and3A_360 = arith.constant 3 : i32
      %and3A_361 = arith.andi %add3A_357, %and3A_360 : i32
      %and3A_362 = arith.constant 3 : i32
      %and3A_363 = arith.andi %add3A_354, %and3A_362 : i32
      %mul3A_364 = arith.constant 16384 : i32
      %mul3A_365 = arith.muli %shift_right_arithmetic3A_359, %mul3A_364 : i32
      %mul3A_366 = arith.constant 4096 : i32
      %mul3A_367 = arith.muli %and3A_363, %mul3A_366 : i32
      %add3A_368 = arith.addi %mul3A_365, %mul3A_367 : i32
      %multiple_of3A_369 = tpu.assume_multiple %add3A_368, 4096 : i32
      %dma_wait3A_370 = tpu.memref_slice %arg2[%multiple_of3A_369] : memref<3276800xi32, #tpu.memory_space<hbm>> -> memref<4096xi32, #tpu.memory_space<hbm>>
      %dma_wait3A_371 = tpu.memref_slice %arg2[%multiple_of3A_369] : memref<3276800xi32, #tpu.memory_space<hbm>> -> memref<4096xi32, #tpu.memory_space<hbm>>
      tpu.wait_dma2 semaphore(%arg15 : memref<!tpu.dma_semaphore, #tpu.memory_space<semaphore_mem>>) src(%dma_wait3A_371 : memref<4096xi32, #tpu.memory_space<hbm>>) dst(%arg8 : memref<4096xi32, #tpu.memory_space<vmem>>)
      %ge3A_372 = arith.constant 1 : i32
      %ge3A_373 = arith.cmpi sge, %scan3A_254, %ge3A_372 : i32
      %convert_element_type3A_374 = arith.extui %ge3A_373 : i1 to i32
      %cond3A_375 = arith.constant 0 : i32
      %cond3A_376 = arith.cmpi ne, %convert_element_type3A_374, %cond3A_375 : i32
      scf.if %cond3A_376 {
        %sub3A = arith.constant 2 : i32
        %sub3A_450 = arith.subi %add3A_354, %sub3A : i32
        %shift_right_arithmetic3A_451 = arith.constant 2 : i32
        %shift_right_arithmetic3A_452 = arith.shrsi %sub3A_450, %shift_right_arithmetic3A_451 : i32
        %add3A_453 = arith.addi %mul3A_2, %shift_right_arithmetic3A_452 : i32
        %shift_right_arithmetic3A_454 = arith.constant 2 : i32
        %shift_right_arithmetic3A_455 = arith.shrsi %add3A_453, %shift_right_arithmetic3A_454 : i32
        %and3A_456 = arith.constant 3 : i32
        %and3A_457 = arith.andi %add3A_453, %and3A_456 : i32
        %and3A_458 = arith.constant 3 : i32
        %and3A_459 = arith.andi %sub3A_450, %and3A_458 : i32
        %mul3A_460 = arith.constant 8 : i32
        %mul3A_461 = arith.muli %and3A_457, %mul3A_460 : i32
        %mul3A_462 = arith.constant 4096 : i32
        %mul3A_463 = arith.muli %and3A_459, %mul3A_462 : i32
        %multiple_of3A_464 = tpu.assume_multiple %mul3A_463, 4096 : i32
        %dma_wait3A_465 = tpu.memref_slice %arg6[%shift_right_arithmetic3A_455, %mul3A_461, %multiple_of3A_464] : memref<200x32x16384xf32, #tpu.memory_space<hbm>> -> memref<1x8x4096xf32, #tpu.memory_space<hbm>>
        %dma_wait3A_466 = tpu.memref_squeeze %dma_wait3A_465 : memref<1x8x4096xf32, #tpu.memory_space<hbm>> -> memref<8x4096xf32, #tpu.memory_space<hbm>>
        %dma_wait3A_467 = tpu.memref_slice %arg6[%shift_right_arithmetic3A_455, %mul3A_461, %multiple_of3A_464] : memref<200x32x16384xf32, #tpu.memory_space<hbm>> -> memref<1x8x4096xf32, #tpu.memory_space<hbm>>
        %dma_wait3A_468 = tpu.memref_squeeze %dma_wait3A_467 : memref<1x8x4096xf32, #tpu.memory_space<hbm>> -> memref<8x4096xf32, #tpu.memory_space<hbm>>
        tpu.wait_dma2 semaphore(%arg17 : memref<!tpu.dma_semaphore, #tpu.memory_space<semaphore_mem>>) src(%arg10 : memref<8x4096xf32, #tpu.memory_space<vmem>>) dst(%dma_wait3A_468 : memref<8x4096xf32, #tpu.memory_space<hbm>>)
      } else {
      }
      %shift_right_arithmetic3A_377 = arith.constant 2 : i32
      %shift_right_arithmetic3A_378 = arith.shrsi %add3A_354, %shift_right_arithmetic3A_377 : i32
      %add3A_379 = arith.addi %mul3A_2, %shift_right_arithmetic3A_378 : i32
      %shift_right_arithmetic3A_380 = arith.constant 2 : i32
      %shift_right_arithmetic3A_381 = arith.shrsi %add3A_379, %shift_right_arithmetic3A_380 : i32
      %and3A_382 = arith.constant 3 : i32
      %and3A_383 = arith.andi %add3A_379, %and3A_382 : i32
      %and3A_384 = arith.constant 3 : i32
      %and3A_385 = arith.andi %add3A_354, %and3A_384 : i32
      %mul3A_386 = arith.constant 128 : i32
      %mul3A_387 = arith.muli %and3A_383, %mul3A_386 : i32
      %multiple_of3A_388 = tpu.assume_multiple %mul3A_387, 128 : i32
      %add3A_389 = arith.constant 0 : i32
      %add3A_390 = arith.addi %multiple_of3A_388, %add3A_389 : i32
      %get3A_391 = arith.index_cast %add3A_390 : i32 to index
      %get3A_392 = tpu.vector_load %arg11[%get3A_391] {strides = array<i32>} : memref<512xf32, #tpu.memory_space<vmem>>, vector<16xf32>,
      %add3A_393 = arith.constant 16 : i32
      %add3A_394 = arith.addi %multiple_of3A_388, %add3A_393 : i32
      %get3A_395 = arith.index_cast %add3A_394 : i32 to index
      %get3A_396 = tpu.vector_load %arg11[%get3A_395] {strides = array<i32>} : memref<512xf32, #tpu.memory_space<vmem>>, vector<16xf32>,
      %add3A_397 = arith.constant 32 : i32
      %add3A_398 = arith.addi %multiple_of3A_388, %add3A_397 : i32
      %get3A_399 = arith.index_cast %add3A_398 : i32 to index
      %get3A_400 = tpu.vector_load %arg11[%get3A_399] {strides = array<i32>} : memref<512xf32, #tpu.memory_space<vmem>>, vector<16xf32>,
      %add3A_401 = arith.constant 48 : i32
      %add3A_402 = arith.addi %multiple_of3A_388, %add3A_401 : i32
      %get3A_403 = arith.index_cast %add3A_402 : i32 to index
      %get3A_404 = tpu.vector_load %arg11[%get3A_403] {strides = array<i32>} : memref<512xf32, #tpu.memory_space<vmem>>, vector<16xf32>,
      %add3A_405 = arith.constant 64 : i32
      %add3A_406 = arith.addi %multiple_of3A_388, %add3A_405 : i32
      %get3A_407 = arith.index_cast %add3A_406 : i32 to index
      %get3A_408 = tpu.vector_load %arg11[%get3A_407] {strides = array<i32>} : memref<512xf32, #tpu.memory_space<vmem>>, vector<16xf32>,
      %add3A_409 = arith.constant 80 : i32
      %add3A_410 = arith.addi %multiple_of3A_388, %add3A_409 : i32
      %get3A_411 = arith.index_cast %add3A_410 : i32 to index
      %get3A_412 = tpu.vector_load %arg11[%get3A_411] {strides = array<i32>} : memref<512xf32, #tpu.memory_space<vmem>>, vector<16xf32>,
      %add3A_413 = arith.constant 96 : i32
      %add3A_414 = arith.addi %multiple_of3A_388, %add3A_413 : i32
      %get3A_415 = arith.index_cast %add3A_414 : i32 to index
      %get3A_416 = tpu.vector_load %arg11[%get3A_415] {strides = array<i32>} : memref<512xf32, #tpu.memory_space<vmem>>, vector<16xf32>,
      %add3A_417 = arith.constant 112 : i32
      %add3A_418 = arith.addi %multiple_of3A_388, %add3A_417 : i32
      %get3A_419 = arith.index_cast %add3A_418 : i32 to index
      %get3A_420 = tpu.vector_load %arg11[%get3A_419] {strides = array<i32>} : memref<512xf32, #tpu.memory_space<vmem>>, vector<16xf32>,
      %scan3A_421 = arith.constant 0 : i32
      %scan3A_422 = arith.constant 0 : i32
      %scan3A_423 = arith.constant 256 : i32
      %scan3A_424 = arith.addi %scan3A_422, %scan3A_423 : i32
      %scan3A_425 = arith.constant 1 : i32
      scf.for %scan3A_450 = %scan3A_422 to %scan3A_424 step %scan3A_425  : i32 {
        %mul3A_451 = arith.constant 16 : i32
        %mul3A_452 = arith.muli %scan3A_450, %mul3A_451 : i32
        %multiple_of3A_453 = tpu.assume_multiple %mul3A_452, 16 : i32
        %get3A_454 = arith.index_cast %multiple_of3A_453 : i32 to index
        %get3A_455 = tpu.vector_load %arg8[%get3A_454] {strides = array<i32>} : memref<4096xi32, #tpu.memory_space<vmem>>, vector<16xi32>,
        %broadcast_in_dim3A_456 = vector.shape_cast %get3A_455 : vector<16xi32> to vector<16x1xi32>
        %gather3A_457 = vector.shape_cast %broadcast_in_dim3A_456 : vector<16x1xi32> to vector<16xi32>
        %gather3A_458 = tpu.dynamic_gather %get3A_392[%gather3A_457] in [0] : vector<16xf32>, vector<16xi32> -> vector<16xf32>
        %swap3A_459 = arith.constant 0 : i32
        %swap3A_460 = arith.index_cast %swap3A_459 : i32 to index
        %swap3A_461 = arith.index_cast %multiple_of3A_453 : i32 to index
        %swap3A_462 = tpu.vector_load %arg10[%swap3A_460, %swap3A_461] {strides = array<i32>} : memref<8x4096xf32, #tpu.memory_space<vmem>>, vector<16xf32>,
        tpu.vector_store %arg10[%swap3A_460, %swap3A_461], %gather3A_458 {strides = array<i32>} : memref<8x4096xf32, #tpu.memory_space<vmem>>, vector<16xf32>,
        %broadcast_in_dim3A_463 = vector.shape_cast %get3A_455 : vector<16xi32> to vector<16x1xi32>
        %gather3A_464 = vector.shape_cast %broadcast_in_dim3A_463 : vector<16x1xi32> to vector<16xi32>
        %gather3A_465 = tpu.dynamic_gather %get3A_396[%gather3A_464] in [0] : vector<16xf32>, vector<16xi32> -> vector<16xf32>
        %swap3A_466 = arith.constant 1 : i32
        %swap3A_467 = arith.index_cast %swap3A_466 : i32 to index
        %swap3A_468 = arith.index_cast %multiple_of3A_453 : i32 to index
        %swap3A_469 = tpu.vector_load %arg10[%swap3A_467, %swap3A_468] {strides = array<i32>} : memref<8x4096xf32, #tpu.memory_space<vmem>>, vector<16xf32>,
        tpu.vector_store %arg10[%swap3A_467, %swap3A_468], %gather3A_465 {strides = array<i32>} : memref<8x4096xf32, #tpu.memory_space<vmem>>, vector<16xf32>,
        %broadcast_in_dim3A_470 = vector.shape_cast %get3A_455 : vector<16xi32> to vector<16x1xi32>
        %gather3A_471 = vector.shape_cast %broadcast_in_dim3A_470 : vector<16x1xi32> to vector<16xi32>
        %gather3A_472 = tpu.dynamic_gather %get3A_400[%gather3A_471] in [0] : vector<16xf32>, vector<16xi32> -> vector<16xf32>
        %swap3A_473 = arith.constant 2 : i32
        %swap3A_474 = arith.index_cast %swap3A_473 : i32 to index
        %swap3A_475 = arith.index_cast %multiple_of3A_453 : i32 to index
        %swap3A_476 = tpu.vector_load %arg10[%swap3A_474, %swap3A_475] {strides = array<i32>} : memref<8x4096xf32, #tpu.memory_space<vmem>>, vector<16xf32>,
        tpu.vector_store %arg10[%swap3A_474, %swap3A_475], %gather3A_472 {strides = array<i32>} : memref<8x4096xf32, #tpu.memory_space<vmem>>, vector<16xf32>,
        %broadcast_in_dim3A_477 = vector.shape_cast %get3A_455 : vector<16xi32> to vector<16x1xi32>
        %gather3A_478 = vector.shape_cast %broadcast_in_dim3A_477 : vector<16x1xi32> to vector<16xi32>
        %gather3A_479 = tpu.dynamic_gather %get3A_404[%gather3A_478] in [0] : vector<16xf32>, vector<16xi32> -> vector<16xf32>
        %swap3A_480 = arith.constant 3 : i32
        %swap3A_481 = arith.index_cast %swap3A_480 : i32 to index
        %swap3A_482 = arith.index_cast %multiple_of3A_453 : i32 to index
        %swap3A_483 = tpu.vector_load %arg10[%swap3A_481, %swap3A_482] {strides = array<i32>} : memref<8x4096xf32, #tpu.memory_space<vmem>>, vector<16xf32>,
        tpu.vector_store %arg10[%swap3A_481, %swap3A_482], %gather3A_479 {strides = array<i32>} : memref<8x4096xf32, #tpu.memory_space<vmem>>, vector<16xf32>,
        %broadcast_in_dim3A_484 = vector.shape_cast %get3A_455 : vector<16xi32> to vector<16x1xi32>
        %gather3A_485 = vector.shape_cast %broadcast_in_dim3A_484 : vector<16x1xi32> to vector<16xi32>
        %gather3A_486 = tpu.dynamic_gather %get3A_408[%gather3A_485] in [0] : vector<16xf32>, vector<16xi32> -> vector<16xf32>
        %swap3A_487 = arith.constant 4 : i32
        %swap3A_488 = arith.index_cast %swap3A_487 : i32 to index
        %swap3A_489 = arith.index_cast %multiple_of3A_453 : i32 to index
        %swap3A_490 = tpu.vector_load %arg10[%swap3A_488, %swap3A_489] {strides = array<i32>} : memref<8x4096xf32, #tpu.memory_space<vmem>>, vector<16xf32>,
        tpu.vector_store %arg10[%swap3A_488, %swap3A_489], %gather3A_486 {strides = array<i32>} : memref<8x4096xf32, #tpu.memory_space<vmem>>, vector<16xf32>,
        %broadcast_in_dim3A_491 = vector.shape_cast %get3A_455 : vector<16xi32> to vector<16x1xi32>
        %gather3A_492 = vector.shape_cast %broadcast_in_dim3A_491 : vector<16x1xi32> to vector<16xi32>
        %gather3A_493 = tpu.dynamic_gather %get3A_412[%gather3A_492] in [0] : vector<16xf32>, vector<16xi32> -> vector<16xf32>
        %swap3A_494 = arith.constant 5 : i32
        %swap3A_495 = arith.index_cast %swap3A_494 : i32 to index
        %swap3A_496 = arith.index_cast %multiple_of3A_453 : i32 to index
        %swap3A_497 = tpu.vector_load %arg10[%swap3A_495, %swap3A_496] {strides = array<i32>} : memref<8x4096xf32, #tpu.memory_space<vmem>>, vector<16xf32>,
        tpu.vector_store %arg10[%swap3A_495, %swap3A_496], %gather3A_493 {strides = array<i32>} : memref<8x4096xf32, #tpu.memory_space<vmem>>, vector<16xf32>,
        %broadcast_in_dim3A_498 = vector.shape_cast %get3A_455 : vector<16xi32> to vector<16x1xi32>
        %gather3A_499 = vector.shape_cast %broadcast_in_dim3A_498 : vector<16x1xi32> to vector<16xi32>
        %gather3A_500 = tpu.dynamic_gather %get3A_416[%gather3A_499] in [0] : vector<16xf32>, vector<16xi32> -> vector<16xf32>
        %swap3A_501 = arith.constant 6 : i32
        %swap3A_502 = arith.index_cast %swap3A_501 : i32 to index
        %swap3A_503 = arith.index_cast %multiple_of3A_453 : i32 to index
        %swap3A_504 = tpu.vector_load %arg10[%swap3A_502, %swap3A_503] {strides = array<i32>} : memref<8x4096xf32, #tpu.memory_space<vmem>>, vector<16xf32>,
        tpu.vector_store %arg10[%swap3A_502, %swap3A_503], %gather3A_500 {strides = array<i32>} : memref<8x4096xf32, #tpu.memory_space<vmem>>, vector<16xf32>,
        %broadcast_in_dim3A_505 = vector.shape_cast %get3A_455 : vector<16xi32> to vector<16x1xi32>
        %gather3A_506 = vector.shape_cast %broadcast_in_dim3A_505 : vector<16x1xi32> to vector<16xi32>
        %gather3A_507 = tpu.dynamic_gather %get3A_420[%gather3A_506] in [0] : vector<16xf32>, vector<16xi32> -> vector<16xf32>
        %swap3A_508 = arith.constant 7 : i32
        %swap3A_509 = arith.index_cast %swap3A_508 : i32 to index
        %swap3A_510 = arith.index_cast %multiple_of3A_453 : i32 to index
        %swap3A_511 = tpu.vector_load %arg10[%swap3A_509, %swap3A_510] {strides = array<i32>} : memref<8x4096xf32, #tpu.memory_space<vmem>>, vector<16xf32>,
        tpu.vector_store %arg10[%swap3A_509, %swap3A_510], %gather3A_507 {strides = array<i32>} : memref<8x4096xf32, #tpu.memory_space<vmem>>, vector<16xf32>,
      }
      %scan3A_426 = arith.constant 256 : i32
      %shift_right_arithmetic3A_427 = arith.constant 2 : i32
      %shift_right_arithmetic3A_428 = arith.shrsi %add3A_354, %shift_right_arithmetic3A_427 : i32
      %add3A_429 = arith.addi %mul3A_2, %shift_right_arithmetic3A_428 : i32
      %shift_right_arithmetic3A_430 = arith.constant 2 : i32
      %shift_right_arithmetic3A_431 = arith.shrsi %add3A_429, %shift_right_arithmetic3A_430 : i32
      %and3A_432 = arith.constant 3 : i32
      %and3A_433 = arith.andi %add3A_429, %and3A_432 : i32
      %and3A_434 = arith.constant 3 : i32
      %and3A_435 = arith.andi %add3A_354, %and3A_434 : i32
      %mul3A_436 = arith.constant 8 : i32
      %mul3A_437 = arith.muli %and3A_433, %mul3A_436 : i32
      %mul3A_438 = arith.constant 4096 : i32
      %mul3A_439 = arith.muli %and3A_435, %mul3A_438 : i32
      %multiple_of3A_440 = tpu.assume_multiple %mul3A_439, 4096 : i32
      %dma_start3A_441 = tpu.memref_slice %arg6[%shift_right_arithmetic3A_431, %mul3A_437, %multiple_of3A_440] : memref<200x32x16384xf32, #tpu.memory_space<hbm>> -> memref<1x8x4096xf32, #tpu.memory_space<hbm>>
      %dma_start3A_442 = tpu.memref_squeeze %dma_start3A_441 : memref<1x8x4096xf32, #tpu.memory_space<hbm>> -> memref<8x4096xf32, #tpu.memory_space<hbm>>
      %dma_start3A_443 = tpu.memref_slice %arg6[%shift_right_arithmetic3A_431, %mul3A_437, %multiple_of3A_440] : memref<200x32x16384xf32, #tpu.memory_space<hbm>> -> memref<1x8x4096xf32, #tpu.memory_space<hbm>>
      %dma_start3A_444 = tpu.memref_squeeze %dma_start3A_443 : memref<1x8x4096xf32, #tpu.memory_space<hbm>> -> memref<8x4096xf32, #tpu.memory_space<hbm>>
      tpu.enqueue_dma source(%arg10 : memref<8x4096xf32, #tpu.memory_space<vmem>>) target(%dma_start3A_444 : memref<8x4096xf32, #tpu.memory_space<hbm>>) target_semaphore(%arg17 : memref<!tpu.dma_semaphore, #tpu.memory_space<semaphore_mem>>)
      %lt3A_445 = arith.constant 49 : i32
      %lt3A_446 = arith.cmpi slt, %scan3A_254, %lt3A_445 : i32
      %convert_element_type3A_447 = arith.extui %lt3A_446 : i1 to i32
      %cond3A_448 = arith.constant 0 : i32
      %cond3A_449 = arith.cmpi ne, %convert_element_type3A_447, %cond3A_448 : i32
      scf.if %cond3A_449 {
        %add3A_450 = arith.constant 2 : i32
        %add3A_451 = arith.addi %add3A_354, %add3A_450 : i32
        %shift_right_arithmetic3A_452 = arith.constant 2 : i32
        %shift_right_arithmetic3A_453 = arith.shrsi %add3A_451, %shift_right_arithmetic3A_452 : i32
        %add3A_454 = arith.addi %mul3A_2, %shift_right_arithmetic3A_453 : i32
        %shift_right_arithmetic3A_455 = arith.constant 2 : i32
        %shift_right_arithmetic3A_456 = arith.shrsi %add3A_454, %shift_right_arithmetic3A_455 : i32
        %and3A_457 = arith.constant 3 : i32
        %and3A_458 = arith.andi %add3A_454, %and3A_457 : i32
        %and3A_459 = arith.constant 3 : i32
        %and3A_460 = arith.andi %add3A_451, %and3A_459 : i32
        %mul3A_461 = arith.constant 16384 : i32
        %mul3A_462 = arith.muli %shift_right_arithmetic3A_456, %mul3A_461 : i32
        %mul3A_463 = arith.constant 4096 : i32
        %mul3A_464 = arith.muli %and3A_460, %mul3A_463 : i32
        %add3A_465 = arith.addi %mul3A_462, %mul3A_464 : i32
        %multiple_of3A_466 = tpu.assume_multiple %add3A_465, 4096 : i32
        %dma_start3A_467 = tpu.memref_slice %arg2[%multiple_of3A_466] : memref<3276800xi32, #tpu.memory_space<hbm>> -> memref<4096xi32, #tpu.memory_space<hbm>>
        %dma_start3A_468 = tpu.memref_slice %arg2[%multiple_of3A_466] : memref<3276800xi32, #tpu.memory_space<hbm>> -> memref<4096xi32, #tpu.memory_space<hbm>>
        tpu.enqueue_dma source(%dma_start3A_468 : memref<4096xi32, #tpu.memory_space<hbm>>) target(%arg8 : memref<4096xi32, #tpu.memory_space<vmem>>) target_semaphore(%arg15 : memref<!tpu.dma_semaphore, #tpu.memory_space<semaphore_mem>>)
      } else {
      }
    }
    %scan3A_226 = arith.constant 50 : i32
    %add3A_227 = arith.constant 24 : i32
    %add3A_228 = arith.addi %mul3A_2, %add3A_227 : i32
    %shift_right_arithmetic3A_229 = arith.constant 2 : i32
    %shift_right_arithmetic3A_230 = arith.shrsi %add3A_228, %shift_right_arithmetic3A_229 : i32
    %and3A_231 = arith.constant 3 : i32
    %and3A_232 = arith.andi %add3A_228, %and3A_231 : i32
    %mul3A_233 = arith.constant 8 : i32
    %mul3A_234 = arith.muli %and3A_232, %mul3A_233 : i32
    %multiple_of3A_235 = arith.constant 8192 : i32
    %multiple_of3A_236 = tpu.assume_multiple %multiple_of3A_235, 4096 : i32
    %dma_wait3A = tpu.memref_slice %arg6[%shift_right_arithmetic3A_230, %mul3A_234, %multiple_of3A_236] : memref<200x32x16384xf32, #tpu.memory_space<hbm>> -> memref<1x8x4096xf32, #tpu.memory_space<hbm>>
    %dma_wait3A_237 = tpu.memref_squeeze %dma_wait3A : memref<1x8x4096xf32, #tpu.memory_space<hbm>> -> memref<8x4096xf32, #tpu.memory_space<hbm>>
    %dma_wait3A_238 = tpu.memref_slice %arg6[%shift_right_arithmetic3A_230, %mul3A_234, %multiple_of3A_236] : memref<200x32x16384xf32, #tpu.memory_space<hbm>> -> memref<1x8x4096xf32, #tpu.memory_space<hbm>>
    %dma_wait3A_239 = tpu.memref_squeeze %dma_wait3A_238 : memref<1x8x4096xf32, #tpu.memory_space<hbm>> -> memref<8x4096xf32, #tpu.memory_space<hbm>>
    tpu.wait_dma2 semaphore(%arg16 : memref<!tpu.dma_semaphore, #tpu.memory_space<semaphore_mem>>) src(%arg9 : memref<8x4096xf32, #tpu.memory_space<vmem>>) dst(%dma_wait3A_239 : memref<8x4096xf32, #tpu.memory_space<hbm>>)
    %add3A_240 = arith.constant 24 : i32
    %add3A_241 = arith.addi %mul3A_2, %add3A_240 : i32
    %shift_right_arithmetic3A_242 = arith.constant 2 : i32
    %shift_right_arithmetic3A_243 = arith.shrsi %add3A_241, %shift_right_arithmetic3A_242 : i32
    %and3A_244 = arith.constant 3 : i32
    %and3A_245 = arith.andi %add3A_241, %and3A_244 : i32
    %mul3A_246 = arith.constant 8 : i32
    %mul3A_247 = arith.muli %and3A_245, %mul3A_246 : i32
    %multiple_of3A_248 = arith.constant 12288 : i32
    %multiple_of3A_249 = tpu.assume_multiple %multiple_of3A_248, 4096 : i32
    %dma_wait3A_250 = tpu.memref_slice %arg6[%shift_right_arithmetic3A_243, %mul3A_247, %multiple_of3A_249] : memref<200x32x16384xf32, #tpu.memory_space<hbm>> -> memref<1x8x4096xf32, #tpu.memory_space<hbm>>
    %dma_wait3A_251 = tpu.memref_squeeze %dma_wait3A_250 : memref<1x8x4096xf32, #tpu.memory_space<hbm>> -> memref<8x4096xf32, #tpu.memory_space<hbm>>
    %dma_wait3A_252 = tpu.memref_slice %arg6[%shift_right_arithmetic3A_243, %mul3A_247, %multiple_of3A_249] : memref<200x32x16384xf32, #tpu.memory_space<hbm>> -> memref<1x8x4096xf32, #tpu.memory_space<hbm>>
    %dma_wait3A_253 = tpu.memref_squeeze %dma_wait3A_252 : memref<1x8x4096xf32, #tpu.memory_space<hbm>> -> memref<8x4096xf32, #tpu.memory_space<hbm>>
    tpu.wait_dma2 semaphore(%arg17 : memref<!tpu.dma_semaphore, #tpu.memory_space<semaphore_mem>>) src(%arg10 : memref<8x4096xf32, #tpu.memory_space<vmem>>) dst(%dma_wait3A_253 : memref<8x4096xf32, #tpu.memory_space<hbm>>)
    return
  }
}

</mosaic_0001>

<sc_bundles>
// kernel: kernel.3.cloned.1.call-start
scs
__scs_entry_jumppad:
0x0: {  	(pc) =	sbr.rel $0x88, $3  }
0x1: {  	(tag) =	ssettag $0x0;
	lr =	simm.s32 $0x1  }
0x2: {  	[smem:$0x3F9D] =	sst lr;
	_ =	strace $0xD0000000  }
0x3: {  	_ = 	snop  }
0x4: {  	_ = 	snop  }
0x5: {  	_ = 	snop  }
0x6: {  	_ = 	snop  }
0x7: {  	_ = 	snop  }
__scs_overlays_trampoline_lowered:
0x8: {  	[smem:$0x3FAC] =	sst s0  }
0x9: {  	[smem:$0x3FAD] =	sst s1  }
0xa: {  	[smem:$0x3FAE] =	sst s2  }
0xb: {  	[smem:$0x3FAF] =	sst s3  }
0xc: {  	[smem:$0x3FB0] =	sst s4  }
0xd: {  	[smem:$0x3FB1] =	sst s5  }
0xe: {  	[smem:$0x3FB2] =	sst s6  }
0xf: {  	[smem:$0x3FB3] =	sst s7  }
0x10: {  	[smem:$0x3FB4] =	sst s8  }
0x11: {  	[smem:$0x3FB5] =	sst s9;
	s0 =	simm.s32 @!p0 $0x0  }
0x12: {  	s1 =	sld [smem:$0x3F9B];
	s0 =	simm.s32 @p0 $0x1  }
0x13: {  	[smem:$0x3FB6] =	sst s0;
	s0 =	simm.s32 @!p1 $0x0  }
0x14: {  	s2 =	sld [smem:$0x3F9A];
	s0 =	simm.s32 @p1 $0x1  }
0x15: {  	[smem:$0x3FB7] =	sst s0;
	s0 =	simm.s32 @!p2 $0x0  }
0x16: {  	s3 =	sld [smem:$0x3FDB];
	s0 =	simm.s32 @p2 $0x1  }
0x17: {  	s4 =	simm.s32 $0x1BF5;
	[smem:$0x3FB9] =	sst s0  }
0x18: {  	s0 =	sld [smem:$0x3F9C];
	_ =	swait.ge [sflag:s4], $0x0  }
0x19: {  	s7 =	sld [smem:$0x3F9D]  }
0x1a: {  	s8 =	sadd.s32 $0xFFFFE003, lr  }
0x1b: {  	s9 =	sadd.s32 $0xFFFFFEF7, lr;
	s5 =	simm.s32 $0xFFFFFFFF;
	p2 =	slt.u32 s8, $0xFFFFF086  }
0x1c: {  	p1 =	slt.u32 s9, $0xF7A;
	s5 =	simm.s32 @!p2 $0x0  }
0x1d: {  	s5 =	simm.s32 @p1 $0x1;
	p0 =	seq.s32 s7, s2  }
0x1e: {  	s7 =	smul.u32 @!p0 $0xF7A, s2;
	p2 =	seq.s32 @!p0 s5, $0x0  }
0x1f: {  	s9 =	smul.u32 $0xF7A, s1;
	s8 =	simm.s32 @!p0 $0x1BF5;
	p2 =	por !p2, p0  }
0x20: {  	[sflag:s8] =	ssyncset.s32 @!p0 $0xFFFFF086;
	s6 =	sadd.s32 @!p0 s3, s7;
	s7 =	simm.s32 @!p0 $0x108  }
0x21: {  	s3 =	sadd.s32 s3, s9;
	s6 =	sadd.s32 @!p0 $0x88, s6;
	s7 =	simm.s32 @p2 $0x1082  }
0x22: {  	[simem:s7], [sflag:s8] =	dma.local @!p0 [hbm:s6], $0xF7A  }
0x23: {  	s9 =	sor.u32 $0xD0000000, s2;
	s6 =	simm.s32 $0x108;
	_ =	swait.ge @!p0 [sflag:s8], $0x0  }
0x24: {  	s3 =	sadd.s32 $0x88, s3;
	s6 =	simm.s32 @!p1 $0x1082;
	[sflag:s4] =	ssyncset.s32 $0xFFFFF086  }
0x25: {  	[simem:s6], [sflag:s4] =	dma.local [hbm:s3], $0xF7A  }
0x26: {  	[smem:$0x3F9D] =	sst s1;
	(tag) =	ssettag s2;
	_ =	strace s9  }
0x27: {  	s1 =	sld [smem:$0x3FAD]  }
0x28: {  	s2 =	sld [smem:$0x3FAE]  }
0x29: {  	s4 =	sld [smem:$0x3FB0]  }
0x2a: {  	p0 =	seq.s32 s5, $0x0;
	s5 =	sld [smem:$0x3FB1]  }
0x2b: {  	s6 =	sld [smem:$0x3FB2]  }
0x2c: {  	s7 =	sld [smem:$0x3FB3]  }
0x2d: {  	s3 =	simm.s32 $0x108;
	s8 =	sld [smem:$0x3FB4]  }
0x2e: {  	s3 =	simm.s32 @!p0 $0x1082;
	s9 =	sld [smem:$0x3FB5]  }
0x2f: {  	lr =	sadd.s32 s0, s3;
	s0 =	sld [smem:$0x3FAC]  }
0x30: {  	s3 =	sld [smem:$0x3FAF]  }
0x31: {  	[smem:$0x3FB8] =	sst s10  }
0x32: {  	s10 =	sld [smem:$0x3FB6];
	_ =	sdelay $0x3  }
0x33: {  	p0 =	seq.s32 s10, $0x1;
	s10 =	sld [smem:$0x3FB8];
	_ =	sdelay $0x3  }
0x34: {  	[smem:$0x3FB8] =	sst s10  }
0x35: {  	s10 =	sld [smem:$0x3FB7];
	_ =	sdelay $0x3  }
0x36: {  	p1 =	seq.s32 s10, $0x1;
	s10 =	sld [smem:$0x3FB8];
	_ =	sdelay $0x3  }
0x37: {  	[smem:$0x3FB8] =	sst s10  }
0x38: {  	s10 =	sld [smem:$0x3FB9]  }
0x39: {  	_ = 	snop;
	(pc) =	sbr.ind lr, $3  }
0x3a: {  	_ = 	snop  }
0x3b: {  	_ = 	snop  }
0x3c: {  	p2 =	seq.s32 s10, $0x1;
	s10 =	sld [smem:$0x3FB8]  }
0x3d: {  	_ =	shalt  }
0x3e: {  	_ =	shalt  }
0x3f: {  	_ =	shalt  }
0x40: {  	_ =	shalt  }
0x41: {  	_ =	shalt  }
0x42: {  	_ =	shalt  }
0x43: {  	_ =	shalt  }
0x44: {  	_ =	shalt  }
0x45: {  	_ =	shalt  }
0x46: {  	_ =	shalt  }
0x47: {  	_ =	shalt  }
0x48: {  	_ =	shalt  }
0x49: {  	_ =	shalt  }
0x4a: {  	_ =	shalt  }
0x4b: {  	_ =	shalt  }
0x4c: {  	_ =	shalt  }
0x4d: {  	_ =	shalt  }
0x4e: {  	_ =	shalt  }
0x4f: {  	_ =	shalt  }
0x50: {  	_ =	shalt  }
0x51: {  	_ =	shalt  }
0x52: {  	_ =	shalt  }
0x53: {  	_ =	shalt  }
0x54: {  	_ =	shalt  }
0x55: {  	_ =	shalt  }
0x56: {  	_ =	shalt  }
0x57: {  	_ =	shalt  }
0x58: {  	_ =	shalt  }
0x59: {  	_ =	shalt  }
0x5a: {  	_ =	shalt  }
0x5b: {  	_ =	shalt  }
0x5c: {  	_ =	shalt  }
0x5d: {  	_ =	shalt  }
0x5e: {  	_ =	shalt  }
0x5f: {  	_ =	shalt  }
0x60: {  	_ =	shalt  }
0x61: {  	_ =	shalt  }
0x62: {  	_ =	shalt  }
0x63: {  	_ =	shalt  }
0x64: {  	_ =	shalt  }
0x65: {  	_ =	shalt  }
0x66: {  	_ =	shalt  }
0x67: {  	_ =	shalt  }
0x68: {  	_ =	shalt  }
0x69: {  	_ =	shalt  }
0x6a: {  	_ =	shalt  }
0x6b: {  	_ =	shalt  }
0x6c: {  	_ =	shalt  }
0x6d: {  	_ =	shalt  }
0x6e: {  	_ =	shalt  }
0x6f: {  	_ =	shalt  }
0x70: {  	_ =	shalt  }
0x71: {  	_ =	shalt  }
0x72: {  	_ =	shalt  }
0x73: {  	_ =	shalt  }
0x74: {  	_ =	shalt  }
0x75: {  	_ =	shalt  }
0x76: {  	_ =	shalt  }
0x77: {  	_ =	shalt  }
0x78: {  	_ =	shalt  }
0x79: {  	_ =	shalt  }
0x7a: {  	_ =	shalt  }
0x7b: {  	_ =	shalt  }
0x7c: {  	_ =	shalt  }
0x7d: {  	_ =	shalt  }
0x7e: {  	_ =	shalt  }
0x7f: {  	_ =	shalt  }
0x80: {  	_ =	shalt  }
0x81: {  	_ =	shalt  }
0x82: {  	_ =	shalt  }
0x83: {  	_ =	shalt  }
0x84: {  	_ =	shalt  }
0x85: {  	_ =	shalt  }
0x86: {  	_ =	shalt  }
0x87: {  	_ =	shalt  }
.Lfunc_end0:
.L_simem_size_0:
called_computation_lowered:
.L_overlay_start_0:
0x88: {  	s2 =	sld [smem:$0x3FD9]  }
0x89: {  	s3 =	sld [smem:$0x3FFE];
	_ =	sdelay $0x1  }
0x8a: {  	s1 =	srdreg.scid  }
0x8b: {  	s0 =	sand.u32 $0x1, s1  }
0x8c: {  	s17 =	sshll.u32 s0, $0xA;
	s2 =	sadd.s32 s3, s2  }
0x8d: {  	s2 =	sadd.s32 s2, s17  }
0x8e: {  	[smem:$0x3FC4] =	sst s2  }
0x8f: {  	_ = 	snop  }
0x90: {  	s2 =	sld [smem:$0x3FC7]  }
0x91: {  	s18 =	sld [smem:$0x3FC6]  }
0x92: {  	s4 =	sld [smem:$0x3FD0];
	(tm) =	ssettm $0x1  }
0x93: {  	s5 =	sld [smem:$0x3FFB];
	_ =	sdelay $0x3  }
0x94: {  	_ =	strace s5  }
0x95: {  	s5 =	sld [smem:$0x3FFC];
	_ =	sdelay $0x3  }
0x96: {  	_ =	strace s5  }
0x97: {  	s5 =	sld [smem:$0x3FFD];
	_ =	sdelay $0x3  }
0x98: {  	_ =	strace s5  }
0x99: {  	_ =	strace $0x8FFFFFFF  }
0x9a: {  	s19 =	sld [smem:$0x3FDB];
	_ =	sdelay $0x1  }
0x9b: {  	s6 =	simm.s32 $_scs_section_size  }
0x9c: {  	s7 =	simm.s32 $_size__tile_overlayer_lowered;
	s8 =	simm.s32 $_tile_overlayer_lowered  }
0x9d: {  	s22 =	simm.s32 $0x1BFF;
	s21 =	sshll.u32 s8, $0x1;
	s5 =	sadd.s32 s6, s19  }
0x9e: {  	s9 =	simm.s32 $0x0;
	s20 =	sshll.u32 s7, $0x1;
	s7 =	sadd.s32 s21, s5  }
0x9f: {  	[timem:s9], [sflag:s22] =	dma.local [hbm:s7], s20  }
0xa0: {  	_ =	swait.ge [sflag:s22], s20  }
0xa1: {  	s6 =	ssub.s32 $0x0, s20;
	[sflag:s22] =	ssyncset.done $0x0  }
0xa2: {  	[sflag:s22] =	ssyncadd.s32 s6;
	_ =	sdelay $0x1  }
0xa3: {  	s23 =	simm.s32 $0x1B8B  }
0xa4: {  	_ =	swait.ge [sflag:s23], $0x1  }
0xa5: {  	[sflag:s23] =	ssyncset.done $0x0  }
0xa6: {  	s25 =	simm.s32 $0x1B8E;
	s24 =	sld [smem:$0x3FFE];
	[sflag:s23] =	ssyncadd.s32 $0xFFFFFFFF  }
0xa7: {  	s26 =	simm.s32 $execute0_lowered;
	[smem:$0x3FD2] =	sst s25  }
0xa8: {  	s7 =	sshll.u32 s26, $0x1;
	_ =	strace $0x80000046;
	[dreg:$0x1] =	wrdreg $0xFFFFFFFF  }
0xa9: {  	s28 =	simm.s32 $_size_execute0_lowered;
	s5 =	sadd.s32 s5, s7;
	[dreg:$0x0] =	wrdreg $0x0  }
0xaa: {  	s7 =	sshll.u32 s28, $0x1;
	[dreg:$0x2] =	wrdreg s5  }
0xab: {  	[dreg:$0x3] =	wrdreg s7  }
0xac: {  	[dreg:$0x4] =	wrdreg $0xC0  }
0xad: {  	_ =	task [dreg:s9], $0x5FFFF  }
0xae: {  	[dreg:$0x1] =	wrdreg $0xFFFFFFFF  }
0xaf: {  	[dreg:$0x0] =	wrdreg $0x60  }
0xb0: {  	[dreg:$0x2] =	wrdreg s24  }
0xb1: {  	[dreg:$0x3] =	wrdreg s2  }
0xb2: {  	[dreg:$0x4] =	wrdreg s18  }
0xb3: {  	[dreg:$0x5] =	wrdreg s4  }
0xb4: {  	[dreg:$0x6] =	wrdreg $0x9  }
0xb5: {  	_ =	task.clear_ibuf [dreg:s9], $0x7FFFF;
	_ =	strace $0x90000046  }
0xb6: {  	s29 =	simm.s32 $0x9;
	_ =	strace $0x80000048  }
0xb7: {  	_ =	swait.ge [sflag:s29], $0x1  }
0xb8: {  	[sflag:s29] =	ssyncadd.s32 $0xFFFFFFFF  }
0xb9: {  	_ =	strace $0x90000048  }
0xba: {  	_ =	sfence  }
0xbb: {  	s30 =	sld [smem:$0x0];
	_ =	sdelay $0x2  }
0xbc: {  	s31 =	sshll.u32 s1, $0xD;
	s1 =	sshrl.u32 s1, $0x2  }
0xbd: {  	s3 =	sand.u32 $0x4000, s31;
	s1 =	sadd.s32 s1, s30  }
0xbe: {  	s0 =	sor.u32 s3, s0;
	s1 =	sshll.u32 s1, $0x11  }
0xbf: {  	s0 =	sor.u32 s1, s0  }
0xc0: {  	s0 =	sadd.s32 $0x8F2B, s0  }
0xc1: {  	[sflag:s0] =	ssyncadd.remote.s32 $0x1  }
0xc2: {  	_ =	sfence.sel $0xFFFF  }
0xc3: {  	[dreg:$0x0] =	wrdreg $0xFFFFFFFF;
	(pc) =	sbr.abs _section_cstart, $3  }
0xc4: {  	[dreg:$0x1] =	wrdreg $0xFFFFFFFF  }
0xc5: {  	_ =	task.clear_ibuf [dreg:s9], $0x2FFFF;
	_ =	strace $0x9FFFFFFF  }
0xc6: {  	(tm) =	ssettm $0x7FFFFFFF  }
0xc7: {  	_ =	shalt  }
tec
execute0_lowered:
.L_overlay_start_1:
0x0: {  	(tag) =	ssettag $0x1  }
0x1: {  	s4 =	rddreg [dreg:$0x0];
	s0 =	srdreg.scid  }
0x2: {  	s1 =	stileid.u32;
	s5 =	rddreg [dreg:$0x3];
	s6 =	simm.s32 $0x0  }
0x3: {  	s13 =	simm.s32 $0x5;
	s14 =	simm.s32 $0x12200;
	s15 =	simm.s32 $0x12280  }
0x4: {  	s16 =	simm.s32 $0x1000;
	s0 =	sand.u32 $0x1, s0;
	s2 =	sshll.u32 s1, $0x1  }
0x5: {  	v1 =	vimm.f32 $1.000000000e+00;
	s17 =	simm.s32 $0x1;
	s18 =	simm.s32 $0x2000;
	s2 =	sor.u32 s0, s2  }
0x6: {  	vm0 =	vcmask $0x1300;
	v0 =	vimm.s32 $0x0;
	v2 =	vimm.s32 $0x1;
	s19 =	simm.s32 $0x2;
	s20 =	simm.s32 $0x4;
	s3 =	smul.u32 $0x3200, s2  }
.Ltmp0:
0x7: {  	v3 =	vimm.s32 $0x2;
	v4 =	vimm.s32 $0x3;
	v5 =	vimm.s32 $0x4;
	s21 =	simm.s32 $0xA000;
	s22 =	simm.s32 $0x3;
	(pc) =	sbr.rel .LBB2_1-.Ltmp0, $4  }
0x8: {  	v6 =	vimm.s32 $0x5;
	v7 =	vimm.s32 $0x6;
	v8 =	vimm.s32 $0x7;
	s23 =	simm.s32 $0x0;
	[smem:$0x7FF] =	sst s6;
	s0 =	ssub.s32 $0x2, s0  }
0x9: {  	v9 =	vimm.s32 $0x8;
	v10 =	vimm.s32 $0x9;
	v11 =	vimm.s32 $0xA;
	s7 =	sadd.s32 $0x200, s4;
	s8 =	sshrl.u32 s0, $0x1;
	s3 =	sand.u32 $0x7F800, s3  }
0xa: {  	v12 =	vimm.s32 $0xB;
	v13 =	vimm.s32 $0xC;
	v14 =	vimm.s32 $0xD;
	_ =	strace $0x80000047;
	s0 =	ssub.s32 s0, s8;
	s8 =	sadd.s32 s7, s3  }
0xb: {  	v15 =	vimm.s32 $0xE;
	v16 =	vimm.s32 $0xF;
	v1 =	vsel vm0, $0x0, v1;
	s9 =	smul.u32 $0x19, s2;
	s11 =	smax.u32 s0, $0x1;
	s10 =	sadd.s32 $0x200, s8  }
.LBB2_12:
0xc: {  	s23 =	sadd.s32 $0x1, s23  }
0xd: {  	_ =	swait.ge [sflag:s22], $0x8000;
	p0 =	sne.s32 s23, s11  }
.Ltmp1:
0xe: {  	[sflag:s22] =	ssyncset.done $0x0;
	(pc) =	sbr.rel @!p0 .LBB2_13-.Ltmp1, $4  }
0xf: {  	[sflag:s22] =	ssyncadd.s32 $0xFFFF8000  }
0x10: {  	_ =	swait.ge [sflag:s20], $0x8000  }
0x11: {  	[sflag:s20] =	ssyncset.done $0x0  }
0x12: {  	[sflag:s20] =	ssyncadd.s32 $0xFFFF8000  }
.LBB2_1:
0x13: {  	s0 =	rddreg [dreg:$0x0];
	s1 =	simm.s32 $0x12000  }
0x14: {  	[tilespmem:s1], [sflag:$0x5] =	stream.linear.gather [hbm4b:s0+s6], $0x100, $0x38;
	[tilespmem:$0x12300] =	vst v63  }
0x15: {  	_ =	swait.ge [sflag:s13], $0x100  }
0x16: {  	[sflag:s13] =	ssyncset.done $0x0  }
0x17: {  	[sflag:s13] =	ssyncadd.s32 $0xFFFFFF00  }
0x18: {  	s30 =	rddreg [dreg:$0x1]  }
0x19: {  	[tilespmem:s14], [sflag:$0x5] =	stream.linear.gather [hbm4b:s30+s6], $0x80, $0x38;
	[tilespmem:$0x12300] =	vst v63  }
0x1a: {  	_ =	swait.ge [sflag:s13], $0x80  }
0x1b: {  	[sflag:s13] =	ssyncset.done $0x0  }
0x1c: {  	[sflag:s13] =	ssyncadd.s32 $0xFFFFFF80  }
0x1d: {  	s31 =	rddreg [dreg:$0x2]  }
0x1e: {  	[tilespmem:s15], [sflag:$0x5] =	stream.linear.gather [hbm4b:s31+s6], $0x80, $0x38;
	[tilespmem:$0x12300] =	vst v63  }
0x1f: {  	_ =	swait.ge [sflag:s13], $0x80  }
0x20: {  	[sflag:s13] =	ssyncset.done $0x0  }
0x21: {  	[sflag:s13] =	ssyncadd.s32 $0xFFFFFF80  }
0x22: {  	v17 =	vld [tilespmem:$0x12200]  }
0x23: {  	v18 =	vld [tilespmem:$0x12280];
	_ =	sdelay $0x3  }
0x24: {  	v19 =	vperm.xlane v17, v0  }
0x25: {  	v20 =	vperm.xlane v17, v2;
	v21 =	vperm.xlane v18, v0  }
0x26: {  	v22 =	vperm.xlane v17, v3;
	v23 =	vperm.xlane v18, v2  }
0x27: {  	v24 =	vperm.xlane v17, v4;
	v25 =	vperm.xlane v18, v3  }
0x28: {  	v26 =	vperm.xlane v17, v5;
	v27 =	vperm.xlane v18, v4  }
0x29: {  	v28 =	vperm.xlane v17, v6;
	v29 =	vperm.xlane v18, v5  }
0x2a: {  	v30 =	vperm.xlane v17, v7;
	v31 =	vperm.xlane v18, v6  }
0x2b: {  	v32 =	vperm.xlane v17, v8;
	v36 =	vperm.xlane v18, v7  }
0x2c: {  	v38 =	vperm.xlane v17, v9;
	v39 =	vperm.xlane v18, v8  }
0x2d: {  	v40 =	vperm.xlane v17, v10;
	v43 =	vperm.xlane v18, v9  }
0x2e: {  	v44 =	vperm.xlane v17, v11;
	v46 =	vperm.xlane v18, v10  }
0x2f: {  	v47 =	vperm.xlane v17, v12;
	v19 =	vmul.f32 v1, v19  }
0x30: {  	v49 =	vperm.xlane v18, v11;
	v20 =	vmul.f32 v1, v20  }
0x31: {  	v52 =	vperm.xlane v17, v13;
	v24 =	vmul.f32 v1, v24;
	v19 =	vadd.f32 v21, v19  }
0x32: {  	v53 =	vperm.xlane v18, v12;
	v22 =	vmul.f32 v1, v22;
	v20 =	vadd.f32 v23, v20  }
0x33: {  	v54 =	vperm.xlane v17, v14;
	v28 =	vmul.f32 v1, v28;
	v41 =	vadd.f32 v27, v24;
	[tilespmem:$0x12100] =	vst v19  }
0x34: {  	v56 =	vperm.xlane v18, v13;
	v26 =	vmul.f32 v1, v26;
	v19 =	vadd.f32 v25, v22;
	[tilespmem:$0x12110] =	vst v20  }
0x35: {  	v58 =	vperm.xlane v17, v15;
	v37 =	vmul.f32 v1, v32;
	v45 =	vadd.f32 v31, v28;
	[tilespmem:$0x12130] =	vst v41  }
0x36: {  	v60 =	vperm.xlane v18, v14;
	v63 =	vmul.f32 v1, v30;
	[tilespmem:$0x12120] =	vst v19;
	v19 =	vadd.f32 v29, v26  }
0x37: {  	v17 =	vperm.xlane v17, v16;
	v51 =	vmul.f32 v1, v47;
	v50 =	vadd.f32 v39, v37;
	[tilespmem:$0x12150] =	vst v45  }
0x38: {  	v62 =	vperm.xlane v18, v15;
	v42 =	vmul.f32 v1, v38;
	[tilespmem:$0x12140] =	vst v19;
	v19 =	vadd.f32 v36, v63  }
0x39: {  	v18 =	vperm.xlane v18, v16;
	v17 =	vmul.f32 v1, v17;
	v59 =	vadd.f32 v53, v51;
	[tilespmem:$0x12170] =	vst v50  }
0x3a: {  	v48 =	vmul.f32 v1, v44;
	[tilespmem:$0x12160] =	vst v19;
	v19 =	vadd.f32 v43, v42  }
0x3b: {  	v17 =	vadd.f32 v18, v17;
	v25 =	vmul.f32 v1, v40;
	[tilespmem:$0x121B0] =	vst v59  }
0x3c: {  	v23 =	vmul.f32 v1, v52;
	[tilespmem:$0x12180] =	vst v19;
	v19 =	vadd.f32 v49, v48  }
0x3d: {  	v57 =	vmul.f32 v1, v54;
	[tilespmem:$0x121F0] =	vst v17;
	v55 =	vadd.f32 v46, v25  }
0x3e: {  	v61 =	vmul.f32 v1, v58;
	[tilespmem:$0x121A0] =	vst v19;
	v19 =	vadd.f32 v56, v23  }
0x3f: {  	[tilespmem:$0x12190] =	vst v55;
	v63 =	vadd.f32 v60, v57  }
0x40: {  	[tilespmem:$0x121C0] =	vst v19;
	v19 =	vadd.f32 v62, v61  }
0x41: {  	[tilespmem:$0x121D0] =	vst v63  }
0x42: {  	[tilespmem:$0x121E0] =	vst v19  }
0x43: {  	[tilespmem:s6], [sflag:$0x1] =	stream.linear.gather [hbm4b:s8+s6], $0x1000, $0x38;
	[tilespmem:$0x12300] =	vst v63  }
0x44: {  	s24 =	simm.s32 $0x0  }
0x45: {  	[tilespmem:s16], [sflag:$0x2] =	stream.linear.gather [hbm4b:s10+s6], $0x1000, $0x38;
	[tilespmem:$0x12300] =	vst v63  }
.LBB2_2:
0x46: {  	_ =	swait.ge [sflag:s17], $0x1000  }
0x47: {  	p0 =	seq.s32 s24, $0x0;
	[sflag:s17] =	ssyncset.done $0x0  }
0x48: {  	s0 =	sshrl.u32 s24, $0x1;
	s2 =	simm.s32 @!p0 $0x3;
	[sflag:s17] =	ssyncadd.s32 $0xFFFFF000  }
0x49: {  	s28 =	sadd.s32 s9, s0;
	_ =	swait.ge @!p0 [sflag:s2], $0x8000  }
0x4a: {  	s0 =	sshll.u32 s28, $0x7;
	[sflag:s2] =	ssyncset.done @!p0 $0x0  }
0x4b: {  	s26 =	sand.u32 $0x180, s0;
	[sflag:s2] =	ssyncadd.s32 @!p0 $0xFFFF8000  }
0x4c: {  	v17 =	vld [tilespmem:s26+$0x12000]  }
0x4d: {  	v18 =	vld [tilespmem:s26+$0x12010]  }
0x4e: {  	v19 =	vld [tilespmem:s26+$0x12020]  }
0x4f: {  	s29 =	simm.s32 $0x0;
	v20 =	vld [tilespmem:s26+$0x12060]  }
0x50: {  	v25 =	vld [tilespmem:s29+$0x0]  }
0x51: {  	v22 =	vld [tilespmem:s26+$0x12050]  }
0x52: {  	v23 =	vld [tilespmem:s26+$0x12030];
	_ =	sdelay $0x1  }
0x53: {  	s25 =	sshll.u32 s24, $0x1;
	v21 =	vld [tilespmem:s26+$0x12040]  }
0x54: {  	s4 =	sand.u32 $0x7, s29;
	s12 =	sand.u32 $0x70, s29;
	s3 =	sand.u32 $0x7C00, s29;
	v26 =	vperm.xlane v17, v25;
	v29 =	vperm.xlane v20, v25  }
0x55: {  	s31 =	simm.s32 $0x10;
	s3 =	sor.u32 s12, s3;
	s0 =	sshll.u32 s4, $0x4;
	v27 =	vperm.xlane v19, v25;
	v30 =	vperm.xlane v22, v25  }
0x56: {  	s30 =	sadd.s32 $0x0, s0;
	s0 =	simm.s32 $0x0;
	s2 =	simm.s32 $0x0;
	v24 =	vld [tilespmem:s26+$0x12070];
	v28 =	vperm.xlane v23, v25;
	[tilespmem:s3+$0x2000] =	vst v26;
	v26 =	vperm.xlane v18, v25  }
.LBB2_3:
0x57: {  	s29 =	sadd.s32 $0x80, s29  }
0x58: {  	v31 =	vperm.xlane v21, v25;
	[tilespmem:s3+$0x2300] =	vst v29;
	s0 =	sadd.s32 $0x1, s0;
	s2 =	sadd.s32 $0x10, s2;
	s4 =	smov.u32 s31  }
0x59: {  	p1 =	sne.s32 s31, $0xFF0;
	s31 =	sadd.s32 $0x10, s31;
	s1 =	sand.u32 $0x7, s0;
	[tilespmem:s3+$0x2280] =	vst v30  }
0x5a: {  	s1 =	sshll.u32 s1, $0x4;
	[tilespmem:s3+$0x2100] =	vst v27  }
0x5b: {  	v25 =	vperm.xlane v24, v25;
	s1 =	sadd.s32 s1, s29;
	[tilespmem:s3+$0x2180] =	vst v28  }
0x5c: {  	s12 =	sor.u32 $0x380, s30;
	[tilespmem:s3+$0x2200] =	vst v31;
	s30 =	smov.u32 s1  }
0x5d: {  	[tilespmem:s3+$0x2080] =	vst v26  }
0x5e: {  	[tilespmem:s12+$0x2000] =	vst v25  }
0x5f: {  	v25 =	vld [tilespmem:s2+$0x0];
	_ =	sdelay $0x2  }
.Ltmp2:
0x60: {  	(pc) =	sbr.rel @p1 .LBB2_3-.Ltmp2, $4  }
0x61: {  	_ = 	snop  }
0x62: {  	s1 =	sand.u32 $0x70, s4;
	s3 =	sand.u32 $0x7C00, s29;
	v26 =	vperm.xlane v17, v25;
	v29 =	vperm.xlane v20, v25  }
0x63: {  	s3 =	sor.u32 s1, s3;
	v27 =	vperm.xlane v19, v25;
	v30 =	vperm.xlane v22, v25  }
0x64: {  	v28 =	vperm.xlane v23, v25;
	[tilespmem:s3+$0x2000] =	vst v26;
	v26 =	vperm.xlane v18, v25  }
0x65: {  	[tilespmem:s3+$0x2300] =	vst v29  }
0x66: {  	[tilespmem:s3+$0x2280] =	vst v30  }
0x67: {  	[tilespmem:s3+$0x2100] =	vst v27;
	p1 =	sne.s32 s24, $0x31  }
.Ltmp3:
0x68: {  	v17 =	vperm.xlane v21, v25;
	s0 =	sshll.u32 s24, $0xD;
	[tilespmem:s3+$0x2180] =	vst v28;
	(pc) =	sbr.rel @p1 .LBB2_6-.Ltmp3, $4  }
0x69: {  	v18 =	vperm.xlane v24, v25;
	s29 =	sand.u32 $0x2000, s0;
	[tilespmem:s3+$0x2080] =	vst v26  }
0x6a: {  	s30 =	sor.u32 $0x380, s30;
	s28 =	sshll.u32 s28, $0xE;
	[tilespmem:s3+$0x2200] =	vst v17;
	s1 =	sadd.s32 s5, s29  }
0x6b: {  	[tilespmem:s30+$0x2000] =	vst v18;
	s31 =	sadd.s32 s28, s1  }
0x6c: {  	[hbm4b:s31+s6] =	stream.linear.scatter [tilespmem:s18], [sflag:$0x3], $0x8000, $0x38;
	[tilespmem:$0x12300] =	vst v63  }
.Ltmp4:
0x6d: {  	(pc) =	sbr.rel .LBB2_7-.Ltmp4, $4  }
0x6e: {  	_ = 	snop  }
0x6f: {  	_ =	swait.ge [sflag:s19], $0x1000  }
0x70: {  	[sflag:s19] =	ssyncset.done $0x0  }
0x71: {  	[sflag:s19] =	ssyncadd.s32 $0xFFFFF000  }
.LBB2_6:
0x72: {  	s0 =	sadd.s32 $0x2, s25  }
0x73: {  	s1 =	sshrl.u32 s0, $0x2  }
0x74: {  	s0 =	sshll.u32 s0, $0x9;
	s1 =	sadd.s32 s9, s1  }
0x75: {  	s0 =	sand.u32 $0x400, s0;
	s1 =	sshll.u32 s1, $0x9  }
0x76: {  	s0 =	sadd.s32 s7, s0;
	s1 =	sand.u32 $0xFFFF800, s1  }
.Ltmp5:
0x77: {  	s0 =	sadd.s32 s1, s0;
	(pc) =	sbr.rel @p0 .LBB2_8-.Ltmp5, $4  }
0x78: {  	[tilespmem:s6], [sflag:$0x1] =	stream.linear.gather [hbm4b:s0+s6], $0x1000, $0x38;
	[tilespmem:$0x12300] =	vst v63  }
0x79: {  	_ =	swait.ge [sflag:s19], $0x1000  }
0x7a: {  	[sflag:s19] =	ssyncset.done $0x0  }
0x7b: {  	[sflag:s19] =	ssyncadd.s32 $0xFFFFF000  }
.LBB2_7:
0x7c: {  	_ =	swait.ge [sflag:s20], $0x8000  }
0x7d: {  	[sflag:s20] =	ssyncset.done $0x0  }
0x7e: {  	[sflag:s20] =	ssyncadd.s32 $0xFFFF8000  }
.LBB2_8:
0x7f: {  	v17 =	vld [tilespmem:s26+$0x12000]  }
0x80: {  	v18 =	vld [tilespmem:s26+$0x12010]  }
0x81: {  	v19 =	vld [tilespmem:s26+$0x12020]  }
0x82: {  	v20 =	vld [tilespmem:s26+$0x12060];
	s30 =	simm.s32 $0x1000  }
0x83: {  	v25 =	vld [tilespmem:s30+$0x0]  }
0x84: {  	v22 =	vld [tilespmem:s26+$0x12050]  }
0x85: {  	v23 =	vld [tilespmem:s26+$0x12030];
	_ =	sdelay $0x1  }
0x86: {  	s31 =	simm.s32 $0x0;
	v21 =	vld [tilespmem:s26+$0x12040]  }
0x87: {  	s0 =	sand.u32 $0x7, s31;
	s1 =	sand.u32 $0x70, s31;
	s2 =	sand.u32 $0x7C00, s31;
	v26 =	vperm.xlane v17, v25;
	v30 =	vperm.xlane v20, v25  }
0x88: {  	s4 =	sshll.u32 s0, $0x4;
	s0 =	sor.u32 s1, s2;
	v27 =	vperm.xlane v19, v25;
	v28 =	vperm.xlane v22, v25  }
0x89: {  	v24 =	vld [tilespmem:s26+$0x12070];
	s3 =	simm.s32 $0x10;
	s2 =	simm.s32 $0x0;
	s26 =	sadd.s32 $0x0, s4;
	v29 =	vperm.xlane v23, v25;
	[tilespmem:s0+$0xA000] =	vst v26;
	v26 =	vperm.xlane v18, v25  }
.LBB2_9:
0x8a: {  	s31 =	sadd.s32 $0x80, s31  }
0x8b: {  	v31 =	vperm.xlane v21, v25;
	[tilespmem:s0+$0xA300] =	vst v30;
	s2 =	sadd.s32 $0x1, s2;
	s30 =	sadd.s32 $0x10, s30;
	s1 =	smov.u32 s3  }
0x8c: {  	p0 =	sne.s32 s3, $0xFF0;
	s3 =	sadd.s32 $0x10, s3;
	s4 =	sand.u32 $0x7, s2;
	[tilespmem:s0+$0xA280] =	vst v28  }
0x8d: {  	s4 =	sshll.u32 s4, $0x4;
	[tilespmem:s0+$0xA100] =	vst v27  }
0x8e: {  	v25 =	vperm.xlane v24, v25;
	s4 =	sadd.s32 s4, s31;
	[tilespmem:s0+$0xA180] =	vst v29  }
0x8f: {  	s12 =	sor.u32 $0x380, s26;
	[tilespmem:s0+$0xA200] =	vst v31;
	s26 =	smov.u32 s4  }
0x90: {  	[tilespmem:s0+$0xA080] =	vst v26  }
0x91: {  	[tilespmem:s12+$0xA000] =	vst v25  }
0x92: {  	v25 =	vld [tilespmem:s30+$0x0];
	_ =	sdelay $0x2  }
.Ltmp6:
0x93: {  	(pc) =	sbr.rel @p0 .LBB2_9-.Ltmp6, $4  }
0x94: {  	_ = 	snop  }
0x95: {  	s0 =	sand.u32 $0x70, s1;
	s1 =	sand.u32 $0x7C00, s31;
	v26 =	vperm.xlane v17, v25;
	v30 =	vperm.xlane v20, v25  }
0x96: {  	s0 =	sor.u32 s0, s1;
	v27 =	vperm.xlane v19, v25;
	v28 =	vperm.xlane v22, v25  }
0x97: {  	v29 =	vperm.xlane v23, v25;
	[tilespmem:s0+$0xA000] =	vst v26;
	v26 =	vperm.xlane v18, v25  }
0x98: {  	[tilespmem:s0+$0xA300] =	vst v30  }
0x99: {  	[tilespmem:s0+$0xA280] =	vst v28  }
0x9a: {  	[tilespmem:s0+$0xA100] =	vst v27;
	p0 =	seq.s32 s24, $0x31  }
.Ltmp7:
0x9b: {  	v17 =	vperm.xlane v21, v25;
	[tilespmem:s0+$0xA180] =	vst v29;
	(pc) =	sbr.rel @p0 .LBB2_12-.Ltmp7, $4  }
0x9c: {  	v18 =	vperm.xlane v24, v25;
	s1 =	sadd.s32 s29, s5;
	[tilespmem:s0+$0xA080] =	vst v26  }
0x9d: {  	s2 =	sor.u32 $0x380, s26;
	s31 =	sadd.s32 s28, s1;
	[tilespmem:s0+$0xA200] =	vst v17  }
0x9e: {  	s0 =	sadd.s32 $0x1000, s31;
	[tilespmem:s2+$0xA000] =	vst v18  }
0x9f: {  	[hbm4b:s0+s6] =	stream.linear.scatter [tilespmem:s21], [sflag:$0x4], $0x8000, $0x38;
	[tilespmem:$0x12300] =	vst v63  }
0xa0: {  	s0 =	sadd.s32 $0x3, s25  }
0xa1: {  	s1 =	sshrl.u32 s0, $0x2  }
.Ltmp8:
0xa2: {  	s0 =	sshll.u32 s0, $0x9;
	s1 =	sadd.s32 s9, s1;
	(pc) =	sbr.rel .LBB2_2-.Ltmp8, $4  }
0xa3: {  	s0 =	sand.u32 $0x600, s0;
	s1 =	sshll.u32 s1, $0x9  }
0xa4: {  	s0 =	sadd.s32 s7, s0;
	s1 =	sand.u32 $0xFFFF800, s1  }
0xa5: {  	s24 =	sadd.s32 $0x1, s24;
	s0 =	sadd.s32 s1, s0  }
0xa6: {  	[tilespmem:s16], [sflag:$0x2] =	stream.linear.gather [hbm4b:s0+s6], $0x1000, $0x38;
	[tilespmem:$0x12300] =	vst v63  }
.LBB2_13:
0xa7: {  	_ =	sfence.sel $0x180000  }
0xa8: {  	[bflag:$0x0] =	sbarrier.arrive $0xFFFF  }
0xa9: {  	_ =	strace $0x90000047  }
0xaa: {  	s0 =	stileid.u32;
	[bflag:$0x2] =	sbarrier.arrive $0xFFFF  }
0xab: {  	p0 =	sne.s32 s0, $0x0;
	s0 =	rddreg [dreg:$0x4]  }
0xac: {  	s0 =	sadd.s32 @!p0 $0x100000, s0  }
0xad: {  	[sflag:s0] =	ssyncadd.tile.s32 @!p0 $0x1;
	_ =	shalt  }
.Lfunc_end2:
_tile_overlayer_lowered:
.L_overlay_start_2:
0xae: {  	(tag) =	ssettag $0x2  }
0xaf: {  	s0 =	rddreg [dreg:$0x0];
	s2 =	stileid.u32  }
0xb0: {  	s1 =	rddreg [dreg:$0x1];
	p0 =	sne.s32 s2, $0x0  }
0xb1: {  	s3 =	rddreg [dreg:$0x2];
	[bflag:$0x3] =	sbarrier.arrive $0xFFFF;
	s2 =	simm.s32 @!p0 $0x1C05  }
0xb2: {  	[timem:s3], [sflag:s2] =	dma.local @!p0 [hbm:s0], s1  }
0xb3: {  	s0 =	simm.s32 @!p0 $0x5  }
0xb4: {  	_ =	swait.ge @!p0 [sflag:s0], s1  }
0xb5: {  	s1 =	ssub.s32 @!p0 $0x0, s1;
	[sflag:s0] =	ssyncset.done @!p0 $0x0  }
0xb6: {  	[sflag:s0] =	ssyncadd.s32 @!p0 s1  }
0xb7: {  	[bflag:$0x3] =	sbarrier.arrive $0xFFFF  }
0xb8: {  	_ =	shalt  }

</sc_bundles>
